<compile_context>
chip_gen: v7x
topology: tpu7x:2x2x1
jax: 0.10.2.dev20260603
libtpu: 0.0.44.dev20260713+nightly
codegen_flags: <defaults>
</compile_context>

<pallas_src>
import functools

import jax
import jax.numpy as jnp
from jax import lax
from jax.experimental import pallas as pl
from jax.experimental.pallas import tpu as pltpu
from jax.experimental.pallas import tpu_sc as plsc

SQ, B, NH, DIM = 8192, 2, 16, 128
MAX_SEQ = 8192
HALF = DIM // 2
ROWS = SQ * B
TOT = 2 * ROWS
NC, NS = 2, 16
NW = NC * NS
RPW = TOT // NW
CHUNK = 128
NCHUNK = RPW // CHUNK


def _sc_gather(tab, qpid2d, kpid2d):
    hc = NCHUNK // 2
    mesh = plsc.VectorSubcoreMesh(core_axis_name="c", subcore_axis_name="s")

    @functools.partial(
        pl.kernel,
        out_type=jax.ShapeDtypeStruct((TOT, DIM), jnp.float32),
        mesh=mesh,
        scratch_types=[
            pltpu.VMEM((NCHUNK, CHUNK), jnp.int32),
            pltpu.VMEM((CHUNK, DIM), jnp.float32),
            pltpu.VMEM((CHUNK, DIM), jnp.float32),
            pltpu.SemaphoreType.DMA,
            pltpu.SemaphoreType.DMA,
        ],
    )
    def gather_kernel(tab_hbm, qpid_hbm, kpid_hbm, out_hbm,
                      idx_v, buf0, buf1, sem0, sem1):
        wid = lax.axis_index("s") * NC + lax.axis_index("c")
        bufs = (buf0, buf1)
        sems = (sem0, sem1)

        pltpu.sync_copy(qpid_hbm.at[pl.ds(wid * hc, hc)], idx_v.at[pl.ds(0, hc)])
        pltpu.sync_copy(kpid_hbm.at[pl.ds(wid * hc, hc)],
                        idx_v.at[pl.ds(hc, hc)])

        def out_off(j):
            if j < hc:
                return wid * (hc * CHUNK) + j * CHUNK
            return ROWS + wid * (hc * CHUNK) + (j - hc) * CHUNK

        cp = pltpu.async_copy(tab_hbm.at[idx_v.at[0]], bufs[0], sems[0])
        for j in range(NCHUNK):
            nxt = None
            if j + 1 < NCHUNK:
                nxt = pltpu.async_copy(
                    tab_hbm.at[idx_v.at[j + 1]], bufs[(j + 1) % 2],
                    sems[(j + 1) % 2])
            cp.wait()
            pltpu.sync_copy(
                bufs[j % 2],
                out_hbm.at[pl.ds(out_off(j), CHUNK)])
            cp = nxt

    return gather_kernel(tab, qpid2d, kpid2d)


S_BLK = 256


def _expansion_matrix():
    r = lax.broadcasted_iota(jnp.int32, (DIM, 2 * DIM), 0)
    c = lax.broadcasted_iota(jnp.int32, (DIM, 2 * DIM), 1)
    cond_a = (r < HALF) & (c < DIM) & ((c >> 1) == r)
    cond_b = (r >= HALF) & (c >= DIM) & (((c - DIM) >> 1) == (r - HALF))
    sign = jnp.where((c & 1) == 1, 1.0, -1.0).astype(jnp.float32)
    return (jnp.where(cond_a, 1.0, 0.0) +
            jnp.where(cond_b, sign, 0.0)).astype(jnp.float32)


def _tc_apply(query, key, f3):

    def body(q_ref, k_ref, fq_ref, fk_ref, oq_ref, ok_ref):
        lane = lax.broadcasted_iota(jnp.int32, (S_BLK, B, NH, DIM), 3)
        swap_idx = lane ^ 1
        e_mat = _expansion_matrix()

        def apply(x_ref, f_ref, o_ref):
            x = x_ref[...]
            fc = f_ref[...].reshape(S_BLK * B, DIM)
            ab = lax.dot_general(fc, e_mat, (((1,), (0,)), ((), ())),
                                 precision=lax.Precision.HIGHEST,
                                 preferred_element_type=jnp.float32)
            a = ab[:, :DIM].reshape(S_BLK, B, 1, DIM)
            b = ab[:, DIM:].reshape(S_BLK, B, 1, DIM)
            xs = jnp.take_along_axis(x, swap_idx, axis=3)
            o_ref[...] = x * a + xs * b

        apply(q_ref, fq_ref, oq_ref)
        apply(k_ref, fk_ref, ok_ref)

    x_spec = pl.BlockSpec((S_BLK, B, NH, DIM), lambda i: (i, 0, 0, 0))
    fq_spec = pl.BlockSpec((1, S_BLK * B, DIM), lambda i: (0, i, 0))
    fk_spec = pl.BlockSpec((1, S_BLK * B, DIM), lambda i: (1, i, 0))
    return pl.pallas_call(
        body,
        grid=(SQ // S_BLK,),
        in_specs=[x_spec, x_spec, fq_spec, fk_spec],
        out_specs=[x_spec, x_spec],
        out_shape=[
            jax.ShapeDtypeStruct((SQ, B, NH, DIM), jnp.float32),
            jax.ShapeDtypeStruct((SQ, B, NH, DIM), jnp.float32),
        ],
        compiler_params=pltpu.CompilerParams(
            dimension_semantics=("parallel",),
            vmem_limit_bytes=120 * 1024 * 1024),
    )(query, key, f3, f3)


def kernel(query, key, query_position_ids, key_position_ids,
           freqs_cis_real, freqs_cis_imag):
    tab = jnp.concatenate([freqs_cis_real.astype(jnp.float32),
                           freqs_cis_imag.astype(jnp.float32)], axis=1)

    qpid2d = query_position_ids.astype(jnp.int32).reshape(ROWS // CHUNK, CHUNK)
    kpid2d = key_position_ids.astype(jnp.int32).reshape(ROWS // CHUNK, CHUNK)

    f = _sc_gather(tab, qpid2d, kpid2d)
    f3 = f.reshape(2, ROWS, DIM)

    q_out, k_out = _tc_apply(query.astype(jnp.float32),
                             key.astype(jnp.float32), f3)
    return q_out, k_out

# --- scband reference (transcript-rebuilt; emitter-appended) ---
"""Pipeline reference for scband-rotary-embedding-complex-87222195847660 (READ-ONLY COPY).

The authoritative reference and input builder live on the scoring server;
editing this copy changes nothing except your own understanding.
"""

import jax, jax.numpy as jnp
import numpy as np

DIM = 128
MAX_SEQ = 8192
BASE = 10000.0
SQ, B, NH = 8192, 2, 16

def precompute_freqs():
    freqs = 1.0 / (BASE ** (jnp.arange(0, DIM, 2, dtype=jnp.float32)[: DIM // 2] / DIM))
    t = jnp.arange(MAX_SEQ, dtype=jnp.float32)
    f = jnp.outer(t, freqs)
    # polar(1, f) = cos(f) + i*sin(f)
    return jnp.cos(f), jnp.sin(f)

def setup_inputs(seed: int = 0) -> dict:
    key = jax.random.key(seed)
    k1, k2, k3, k4 = jax.random.split(key, 4)
    query = jax.random.normal(k1, (SQ, B, NH, DIM), dtype=jnp.float32)
    key_t = jax.random.normal(k2, (SQ, B, NH, DIM), dtype=jnp.float32)
    qpid = jax.random.randint(k3, (SQ, B), 0, MAX_SEQ)
    kpid = jax.random.randint(k4, (SQ, B), 0, MAX_SEQ)
    cr, ci = precompute_freqs()
    return {"query": query, "key": key_t, "query_position_ids": qpid, "key_position_ids": kpid, "freqs_cis_real": cr, "freqs_cis_imag": ci}

def _gather_freqs(cr, ci, pid):
    # vector_gather_complex: freqs_cis[sq_max, d] gathered by pid[sq, b] -> [b, sq, 1, d]
    fr = jnp.take(cr, pid, axis=0)
    fi = jnp.take(ci, pid, axis=0)
    fr = jnp.transpose(fr, (1, 0, 2))[:, :, None, :]
    fi = jnp.transpose(fi, (1, 0, 2))[:, :, None, :]
    return fr, fi

def _apply_rot(x, fr, fi):
    # x: [b, sq, nh, hh]; view_as_complex on pairs, complex multiply, view_as_real, flatten
    xs = x.reshape(x.shape[0], x.shape[1], x.shape[2], -1, 2)
    xr, xi = xs[..., 0], xs[..., 1]
    out_r = xr * fr - xi * fi
    out_i = xr * fi + xi * fr
    out = jnp.stack([out_r, out_i], axis=-1)
    return out.reshape(out.shape[0], out.shape[1], out.shape[2], -1)

def reference(query, key, query_position_ids, key_position_ids, freqs_cis_real, freqs_cis_imag):
    # rearrange 'sq b nh hh -> b sq nh hh'
    xq = jnp.transpose(query, (1, 0, 2, 3)).astype(jnp.float32)
    xk = jnp.transpose(key, (1, 0, 2, 3)).astype(jnp.float32)
    fqr, fqi = _gather_freqs(freqs_cis_real, freqs_cis_imag, query_position_ids)
    fkr, fki = _gather_freqs(freqs_cis_real, freqs_cis_imag, key_position_ids)
    q_out = _apply_rot(xq, fqr, fqi).astype(query.dtype)
    k_out = _apply_rot(xk, fkr, fki).astype(key.dtype)
    # rearrange back 'b sq nh hh -> sq b nh hh'
    return (jnp.transpose(q_out, (1, 0, 2, 3)), jnp.transpose(k_out, (1, 0, 2, 3)))

if __name__ == "__main__":
    import jax
    _d = setup_inputs()
    print(jax.jit(kernel)(*tuple(_d.values())))

</pallas_src>

<mosaic_0001>
#map = affine_map<(d0, d1) -> (0, 0)>
module attributes {stable_mosaic.version = 14 : i64} {
  func.func @gather_kernel(%arg0: i32, %arg1: i32, %arg2: memref<8192x128xf32, #tpu.memory_space<hbm>>, %arg3: memref<128x128xi32, #tpu.memory_space<hbm>>, %arg4: memref<128x128xi32, #tpu.memory_space<hbm>>, %arg5: memref<32768x128xf32, #tpu.memory_space<hbm>>, %arg6: memref<8x128xi32, #tpu.memory_space<vmem>>, %arg7: memref<128x128xf32, #tpu.memory_space<vmem>>, %arg8: memref<128x128xf32, #tpu.memory_space<vmem>>, %arg9: memref<!tpu.dma_semaphore, #tpu.memory_space<semaphore_mem>>, %arg10: memref<!tpu.dma_semaphore, #tpu.memory_space<semaphore_mem>>) attributes {dimension_semantics = [#tpu.dimension_semantics<core_parallel>, #tpu.dimension_semantics<subcore_parallel>], iteration_bounds = array<i64: 2, 16>, scalar_prefetch = 0 : i64, scratch_operands = 5 : i64, tpu.core_type = #tpu.core_type<sc_vector_subcore>, window_params = [{transform_indices = #map}, {transform_indices = #map}, {transform_indices = #map}, {transform_indices = #map}]} {
    %mul3A = arith.constant 2 : i32
    %mul3A_0 = arith.muli %arg1, %mul3A : i32
    %add3A = arith.addi %mul3A_0, %arg0 : i32
    %mul3A_1 = arith.constant 4 : i32
    %mul3A_2 = arith.muli %add3A, %mul3A_1 : i32
    "tpu.region"() ({
      %run_scoped3A = tpu.sem_alloc : memref<!tpu.dma_semaphore, #tpu.memory_space<semaphore_mem>>
      %dma_start3A_155 = arith.constant 0 : i32
      %dma_start3A_156 = arith.constant 0 : i32
      %dma_start3A_157 = tpu.memref_slice %arg6[%dma_start3A_155, %dma_start3A_156] : memref<8x128xi32, #tpu.memory_space<vmem>> -> memref<4x128xi32, #tpu.memory_space<vmem>>
      %dma_start3A_158 = arith.constant 0 : i32
      %dma_start3A_159 = tpu.memref_slice %arg3[%mul3A_2, %dma_start3A_158] : memref<128x128xi32, #tpu.memory_space<hbm>> -> memref<4x128xi32, #tpu.memory_space<hbm>>
      %dma_start3A_160 = arith.constant 0 : i32
      %dma_start3A_161 = arith.constant 0 : i32
      %dma_start3A_162 = tpu.memref_slice %arg6[%dma_start3A_160, %dma_start3A_161] : memref<8x128xi32, #tpu.memory_space<vmem>> -> memref<4x128xi32, #tpu.memory_space<vmem>>
      %dma_start3A_163 = arith.constant 0 : i32
      %dma_start3A_164 = tpu.memref_slice %arg3[%mul3A_2, %dma_start3A_163] : memref<128x128xi32, #tpu.memory_space<hbm>> -> memref<4x128xi32, #tpu.memory_space<hbm>>
      tpu.enqueue_dma source(%dma_start3A_164 : memref<4x128xi32, #tpu.memory_space<hbm>>) target(%dma_start3A_162 : memref<4x128xi32, #tpu.memory_space<vmem>>) target_semaphore(%run_scoped3A : memref<!tpu.dma_semaphore, #tpu.memory_space<semaphore_mem>>)
      %dma_wait3A_165 = arith.constant 0 : i32
      %dma_wait3A_166 = arith.constant 0 : i32
      %dma_wait3A_167 = tpu.memref_slice %arg6[%dma_wait3A_165, %dma_wait3A_166] : memref<8x128xi32, #tpu.memory_space<vmem>> -> memref<4x128xi32, #tpu.memory_space<vmem>>
      %dma_wait3A_168 = arith.constant 0 : i32
      %dma_wait3A_169 = tpu.memref_slice %arg3[%mul3A_2, %dma_wait3A_168] : memref<128x128xi32, #tpu.memory_space<hbm>> -> memref<4x128xi32, #tpu.memory_space<hbm>>
      %dma_wait3A_170 = arith.constant 0 : i32
      %dma_wait3A_171 = arith.constant 0 : i32
      %dma_wait3A_172 = tpu.memref_slice %arg6[%dma_wait3A_170, %dma_wait3A_171] : memref<8x128xi32, #tpu.memory_space<vmem>> -> memref<4x128xi32, #tpu.memory_space<vmem>>
      %dma_wait3A_173 = arith.constant 0 : i32
      %dma_wait3A_174 = tpu.memref_slice %arg3[%mul3A_2, %dma_wait3A_173] : memref<128x128xi32, #tpu.memory_space<hbm>> -> memref<4x128xi32, #tpu.memory_space<hbm>>
      tpu.wait_dma2 semaphore(%run_scoped3A : memref<!tpu.dma_semaphore, #tpu.memory_space<semaphore_mem>>) src(%dma_wait3A_174 : memref<4x128xi32, #tpu.memory_space<hbm>>) dst(%dma_wait3A_172 : memref<4x128xi32, #tpu.memory_space<vmem>>)
      tpu.yield
    }) : () -> ()
    %mul3A_3 = arith.constant 4 : i32
    %mul3A_4 = arith.muli %add3A, %mul3A_3 : i32
    "tpu.region"() ({
      %run_scoped3A = tpu.sem_alloc : memref<!tpu.dma_semaphore, #tpu.memory_space<semaphore_mem>>
      %dma_start3A_155 = arith.constant 4 : i32
      %dma_start3A_156 = arith.constant 0 : i32
      %dma_start3A_157 = tpu.memref_slice %arg6[%dma_start3A_155, %dma_start3A_156] : memref<8x128xi32, #tpu.memory_space<vmem>> -> memref<4x128xi32, #tpu.memory_space<vmem>>
      %dma_start3A_158 = arith.constant 0 : i32
      %dma_start3A_159 = tpu.memref_slice %arg4[%mul3A_4, %dma_start3A_158] : memref<128x128xi32, #tpu.memory_space<hbm>> -> memref<4x128xi32, #tpu.memory_space<hbm>>
      %dma_start3A_160 = arith.constant 4 : i32
      %dma_start3A_161 = arith.constant 0 : i32
      %dma_start3A_162 = tpu.memref_slice %arg6[%dma_start3A_160, %dma_start3A_161] : memref<8x128xi32, #tpu.memory_space<vmem>> -> memref<4x128xi32, #tpu.memory_space<vmem>>
      %dma_start3A_163 = arith.constant 0 : i32
      %dma_start3A_164 = tpu.memref_slice %arg4[%mul3A_4, %dma_start3A_163] : memref<128x128xi32, #tpu.memory_space<hbm>> -> memref<4x128xi32, #tpu.memory_space<hbm>>
      tpu.enqueue_dma source(%dma_start3A_164 : memref<4x128xi32, #tpu.memory_space<hbm>>) target(%dma_start3A_162 : memref<4x128xi32, #tpu.memory_space<vmem>>) target_semaphore(%run_scoped3A : memref<!tpu.dma_semaphore, #tpu.memory_space<semaphore_mem>>)
      %dma_wait3A_165 = arith.constant 4 : i32
      %dma_wait3A_166 = arith.constant 0 : i32
      %dma_wait3A_167 = tpu.memref_slice %arg6[%dma_wait3A_165, %dma_wait3A_166] : memref<8x128xi32, #tpu.memory_space<vmem>> -> memref<4x128xi32, #tpu.memory_space<vmem>>
      %dma_wait3A_168 = arith.constant 0 : i32
      %dma_wait3A_169 = tpu.memref_slice %arg4[%mul3A_4, %dma_wait3A_168] : memref<128x128xi32, #tpu.memory_space<hbm>> -> memref<4x128xi32, #tpu.memory_space<hbm>>
      %dma_wait3A_170 = arith.constant 4 : i32
      %dma_wait3A_171 = arith.constant 0 : i32
      %dma_wait3A_172 = tpu.memref_slice %arg6[%dma_wait3A_170, %dma_wait3A_171] : memref<8x128xi32, #tpu.memory_space<vmem>> -> memref<4x128xi32, #tpu.memory_space<vmem>>
      %dma_wait3A_173 = arith.constant 0 : i32
      %dma_wait3A_174 = tpu.memref_slice %arg4[%mul3A_4, %dma_wait3A_173] : memref<128x128xi32, #tpu.memory_space<hbm>> -> memref<4x128xi32, #tpu.memory_space<hbm>>
      tpu.wait_dma2 semaphore(%run_scoped3A : memref<!tpu.dma_semaphore, #tpu.memory_space<semaphore_mem>>) src(%dma_wait3A_174 : memref<4x128xi32, #tpu.memory_space<hbm>>) dst(%dma_wait3A_172 : memref<4x128xi32, #tpu.memory_space<vmem>>)
      tpu.yield
    }) : () -> ()
    %dma_start3A = arith.constant 0 : i32
    %dma_start3A_5 = arith.constant 0 : i32
    %dma_start3A_6 = tpu.memref_slice %arg6[%dma_start3A, %dma_start3A_5] : memref<8x128xi32, #tpu.memory_space<vmem>> -> memref<1x128xi32, #tpu.memory_space<vmem>>
    %dma_start3A_7 = tpu.memref_squeeze %dma_start3A_6 : memref<1x128xi32, #tpu.memory_space<vmem>> -> memref<128xi32, #tpu.memory_space<vmem>>
    %dma_start3A_8 = arith.constant 0 : i32
    %dma_start3A_9 = arith.constant 0 : i32
    %dma_start3A_10 = tpu.memref_slice %arg2[%dma_start3A_8, %dma_start3A_9] : memref<8192x128xf32, #tpu.memory_space<hbm>> -> memref<8192x128xf32, #tpu.memory_space<hbm>>
    tpu.enqueue_indirect_dma source(%dma_start3A_10 : memref<8192x128xf32, #tpu.memory_space<hbm>>) target(%arg7 : memref<128x128xf32, #tpu.memory_space<vmem>>) offsets(%dma_start3A_7 : memref<128xi32, #tpu.memory_space<vmem>>) semaphore(%arg9 : memref<!tpu.dma_semaphore, #tpu.memory_space<semaphore_mem>>)
    %dma_start3A_11 = arith.constant 1 : i32
    %dma_start3A_12 = arith.constant 0 : i32
    %dma_start3A_13 = tpu.memref_slice %arg6[%dma_start3A_11, %dma_start3A_12] : memref<8x128xi32, #tpu.memory_space<vmem>> -> memref<1x128xi32, #tpu.memory_space<vmem>>
    %dma_start3A_14 = tpu.memref_squeeze %dma_start3A_13 : memref<1x128xi32, #tpu.memory_space<vmem>> -> memref<128xi32, #tpu.memory_space<vmem>>
    %dma_start3A_15 = arith.constant 0 : i32
    %dma_start3A_16 = arith.constant 0 : i32
    %dma_start3A_17 = tpu.memref_slice %arg2[%dma_start3A_15, %dma_start3A_16] : memref<8192x128xf32, #tpu.memory_space<hbm>> -> memref<8192x128xf32, #tpu.memory_space<hbm>>
    tpu.enqueue_indirect_dma source(%dma_start3A_17 : memref<8192x128xf32, #tpu.memory_space<hbm>>) target(%arg8 : memref<128x128xf32, #tpu.memory_space<vmem>>) offsets(%dma_start3A_14 : memref<128xi32, #tpu.memory_space<vmem>>) semaphore(%arg10 : memref<!tpu.dma_semaphore, #tpu.memory_space<semaphore_mem>>)
    %dma_wait3A = arith.constant 0 : i32
    %dma_wait3A_18 = arith.constant 0 : i32
    %dma_wait3A_19 = tpu.memref_slice %arg6[%dma_wait3A, %dma_wait3A_18] : memref<8x128xi32, #tpu.memory_space<vmem>> -> memref<1x128xi32, #tpu.memory_space<vmem>>
    %dma_wait3A_20 = tpu.memref_squeeze %dma_wait3A_19 : memref<1x128xi32, #tpu.memory_space<vmem>> -> memref<128xi32, #tpu.memory_space<vmem>>
    %dma_wait3A_21 = arith.constant 0 : i32
    %dma_wait3A_22 = arith.constant 0 : i32
    %dma_wait3A_23 = tpu.memref_slice %arg2[%dma_wait3A_21, %dma_wait3A_22] : memref<8192x128xf32, #tpu.memory_space<hbm>> -> memref<8192x128xf32, #tpu.memory_space<hbm>>
    tpu.wait_indirect_dma semaphore(%arg9 : memref<!tpu.dma_semaphore, #tpu.memory_space<semaphore_mem>>) src(%dma_wait3A_23 : memref<8192x128xf32, #tpu.memory_space<hbm>>) dst(%arg7 : memref<128x128xf32, #tpu.memory_space<vmem>>)
    %mul3A_24 = arith.constant 512 : i32
    %mul3A_25 = arith.muli %add3A, %mul3A_24 : i32
    %add3A_26 = arith.constant 0 : i32
    %add3A_27 = arith.addi %mul3A_25, %add3A_26 : i32
    "tpu.region"() ({
      %run_scoped3A = tpu.sem_alloc : memref<!tpu.dma_semaphore, #tpu.memory_space<semaphore_mem>>
      %dma_start3A_155 = arith.constant 0 : i32
      %dma_start3A_156 = tpu.memref_slice %arg5[%add3A_27, %dma_start3A_155] : memref<32768x128xf32, #tpu.memory_space<hbm>> -> memref<128x128xf32, #tpu.memory_space<hbm>>
      %dma_start3A_157 = arith.constant 0 : i32
      %dma_start3A_158 = tpu.memref_slice %arg5[%add3A_27, %dma_start3A_157] : memref<32768x128xf32, #tpu.memory_space<hbm>> -> memref<128x128xf32, #tpu.memory_space<hbm>>
      tpu.enqueue_dma source(%arg7 : memref<128x128xf32, #tpu.memory_space<vmem>>) target(%dma_start3A_158 : memref<128x128xf32, #tpu.memory_space<hbm>>) target_semaphore(%run_scoped3A : memref<!tpu.dma_semaphore, #tpu.memory_space<semaphore_mem>>)
      %dma_wait3A_159 = arith.constant 0 : i32
      %dma_wait3A_160 = tpu.memref_slice %arg5[%add3A_27, %dma_wait3A_159] : memref<32768x128xf32, #tpu.memory_space<hbm>> -> memref<128x128xf32, #tpu.memory_space<hbm>>
      %dma_wait3A_161 = arith.constant 0 : i32
      %dma_wait3A_162 = tpu.memref_slice %arg5[%add3A_27, %dma_wait3A_161] : memref<32768x128xf32, #tpu.memory_space<hbm>> -> memref<128x128xf32, #tpu.memory_space<hbm>>
      tpu.wait_dma2 semaphore(%run_scoped3A : memref<!tpu.dma_semaphore, #tpu.memory_space<semaphore_mem>>) src(%arg7 : memref<128x128xf32, #tpu.memory_space<vmem>>) dst(%dma_wait3A_162 : memref<128x128xf32, #tpu.memory_space<hbm>>)
      tpu.yield
    }) : () -> ()
    %dma_start3A_28 = arith.constant 2 : i32
    %dma_start3A_29 = arith.constant 0 : i32
    %dma_start3A_30 = tpu.memref_slice %arg6[%dma_start3A_28, %dma_start3A_29] : memref<8x128xi32, #tpu.memory_space<vmem>> -> memref<1x128xi32, #tpu.memory_space<vmem>>
    %dma_start3A_31 = tpu.memref_squeeze %dma_start3A_30 : memref<1x128xi32, #tpu.memory_space<vmem>> -> memref<128xi32, #tpu.memory_space<vmem>>
    %dma_start3A_32 = arith.constant 0 : i32
    %dma_start3A_33 = arith.constant 0 : i32
    %dma_start3A_34 = tpu.memref_slice %arg2[%dma_start3A_32, %dma_start3A_33] : memref<8192x128xf32, #tpu.memory_space<hbm>> -> memref<8192x128xf32, #tpu.memory_space<hbm>>
    tpu.enqueue_indirect_dma source(%dma_start3A_34 : memref<8192x128xf32, #tpu.memory_space<hbm>>) target(%arg7 : memref<128x128xf32, #tpu.memory_space<vmem>>) offsets(%dma_start3A_31 : memref<128xi32, #tpu.memory_space<vmem>>) semaphore(%arg9 : memref<!tpu.dma_semaphore, #tpu.memory_space<semaphore_mem>>)
    %dma_wait3A_35 = arith.constant 1 : i32
    %dma_wait3A_36 = arith.constant 0 : i32
    %dma_wait3A_37 = tpu.memref_slice %arg6[%dma_wait3A_35, %dma_wait3A_36] : memref<8x128xi32, #tpu.memory_space<vmem>> -> memref<1x128xi32, #tpu.memory_space<vmem>>
    %dma_wait3A_38 = tpu.memref_squeeze %dma_wait3A_37 : memref<1x128xi32, #tpu.memory_space<vmem>> -> memref<128xi32, #tpu.memory_space<vmem>>
    %dma_wait3A_39 = arith.constant 0 : i32
    %dma_wait3A_40 = arith.constant 0 : i32
    %dma_wait3A_41 = tpu.memref_slice %arg2[%dma_wait3A_39, %dma_wait3A_40] : memref<8192x128xf32, #tpu.memory_space<hbm>> -> memref<8192x128xf32, #tpu.memory_space<hbm>>
    tpu.wait_indirect_dma semaphore(%arg10 : memref<!tpu.dma_semaphore, #tpu.memory_space<semaphore_mem>>) src(%dma_wait3A_41 : memref<8192x128xf32, #tpu.memory_space<hbm>>) dst(%arg8 : memref<128x128xf32, #tpu.memory_space<vmem>>)
    %mul3A_42 = arith.constant 512 : i32
    %mul3A_43 = arith.muli %add3A, %mul3A_42 : i32
    %add3A_44 = arith.constant 128 : i32
    %add3A_45 = arith.addi %mul3A_43, %add3A_44 : i32
    "tpu.region"() ({
      %run_scoped3A = tpu.sem_alloc : memref<!tpu.dma_semaphore, #tpu.memory_space<semaphore_mem>>
      %dma_start3A_155 = arith.constant 0 : i32
      %dma_start3A_156 = tpu.memref_slice %arg5[%add3A_45, %dma_start3A_155] : memref<32768x128xf32, #tpu.memory_space<hbm>> -> memref<128x128xf32, #tpu.memory_space<hbm>>
      %dma_start3A_157 = arith.constant 0 : i32
      %dma_start3A_158 = tpu.memref_slice %arg5[%add3A_45, %dma_start3A_157] : memref<32768x128xf32, #tpu.memory_space<hbm>> -> memref<128x128xf32, #tpu.memory_space<hbm>>
      tpu.enqueue_dma source(%arg8 : memref<128x128xf32, #tpu.memory_space<vmem>>) target(%dma_start3A_158 : memref<128x128xf32, #tpu.memory_space<hbm>>) target_semaphore(%run_scoped3A : memref<!tpu.dma_semaphore, #tpu.memory_space<semaphore_mem>>)
      %dma_wait3A_159 = arith.constant 0 : i32
      %dma_wait3A_160 = tpu.memref_slice %arg5[%add3A_45, %dma_wait3A_159] : memref<32768x128xf32, #tpu.memory_space<hbm>> -> memref<128x128xf32, #tpu.memory_space<hbm>>
      %dma_wait3A_161 = arith.constant 0 : i32
      %dma_wait3A_162 = tpu.memref_slice %arg5[%add3A_45, %dma_wait3A_161] : memref<32768x128xf32, #tpu.memory_space<hbm>> -> memref<128x128xf32, #tpu.memory_space<hbm>>
      tpu.wait_dma2 semaphore(%run_scoped3A : memref<!tpu.dma_semaphore, #tpu.memory_space<semaphore_mem>>) src(%arg8 : memref<128x128xf32, #tpu.memory_space<vmem>>) dst(%dma_wait3A_162 : memref<128x128xf32, #tpu.memory_space<hbm>>)
      tpu.yield
    }) : () -> ()
    %dma_start3A_46 = arith.constant 3 : i32
    %dma_start3A_47 = arith.constant 0 : i32
    %dma_start3A_48 = tpu.memref_slice %arg6[%dma_start3A_46, %dma_start3A_47] : memref<8x128xi32, #tpu.memory_space<vmem>> -> memref<1x128xi32, #tpu.memory_space<vmem>>
    %dma_start3A_49 = tpu.memref_squeeze %dma_start3A_48 : memref<1x128xi32, #tpu.memory_space<vmem>> -> memref<128xi32, #tpu.memory_space<vmem>>
    %dma_start3A_50 = arith.constant 0 : i32
    %dma_start3A_51 = arith.constant 0 : i32
    %dma_start3A_52 = tpu.memref_slice %arg2[%dma_start3A_50, %dma_start3A_51] : memref<8192x128xf32, #tpu.memory_space<hbm>> -> memref<8192x128xf32, #tpu.memory_space<hbm>>
    tpu.enqueue_indirect_dma source(%dma_start3A_52 : memref<8192x128xf32, #tpu.memory_space<hbm>>) target(%arg8 : memref<128x128xf32, #tpu.memory_space<vmem>>) offsets(%dma_start3A_49 : memref<128xi32, #tpu.memory_space<vmem>>) semaphore(%arg10 : memref<!tpu.dma_semaphore, #tpu.memory_space<semaphore_mem>>)
    %dma_wait3A_53 = arith.constant 2 : i32
    %dma_wait3A_54 = arith.constant 0 : i32
    %dma_wait3A_55 = tpu.memref_slice %arg6[%dma_wait3A_53, %dma_wait3A_54] : memref<8x128xi32, #tpu.memory_space<vmem>> -> memref<1x128xi32, #tpu.memory_space<vmem>>
    %dma_wait3A_56 = tpu.memref_squeeze %dma_wait3A_55 : memref<1x128xi32, #tpu.memory_space<vmem>> -> memref<128xi32, #tpu.memory_space<vmem>>
    %dma_wait3A_57 = arith.constant 0 : i32
    %dma_wait3A_58 = arith.constant 0 : i32
    %dma_wait3A_59 = tpu.memref_slice %arg2[%dma_wait3A_57, %dma_wait3A_58] : memref<8192x128xf32, #tpu.memory_space<hbm>> -> memref<8192x128xf32, #tpu.memory_space<hbm>>
    tpu.wait_indirect_dma semaphore(%arg9 : memref<!tpu.dma_semaphore, #tpu.memory_space<semaphore_mem>>) src(%dma_wait3A_59 : memref<8192x128xf32, #tpu.memory_space<hbm>>) dst(%arg7 : memref<128x128xf32, #tpu.memory_space<vmem>>)
    %mul3A_60 = arith.constant 512 : i32
    %mul3A_61 = arith.muli %add3A, %mul3A_60 : i32
    %add3A_62 = arith.constant 256 : i32
    %add3A_63 = arith.addi %mul3A_61, %add3A_62 : i32
    "tpu.region"() ({
      %run_scoped3A = tpu.sem_alloc : memref<!tpu.dma_semaphore, #tpu.memory_space<semaphore_mem>>
      %dma_start3A_155 = arith.constant 0 : i32
      %dma_start3A_156 = tpu.memref_slice %arg5[%add3A_63, %dma_start3A_155] : memref<32768x128xf32, #tpu.memory_space<hbm>> -> memref<128x128xf32, #tpu.memory_space<hbm>>
      %dma_start3A_157 = arith.constant 0 : i32
      %dma_start3A_158 = tpu.memref_slice %arg5[%add3A_63, %dma_start3A_157] : memref<32768x128xf32, #tpu.memory_space<hbm>> -> memref<128x128xf32, #tpu.memory_space<hbm>>
      tpu.enqueue_dma source(%arg7 : memref<128x128xf32, #tpu.memory_space<vmem>>) target(%dma_start3A_158 : memref<128x128xf32, #tpu.memory_space<hbm>>) target_semaphore(%run_scoped3A : memref<!tpu.dma_semaphore, #tpu.memory_space<semaphore_mem>>)
      %dma_wait3A_159 = arith.constant 0 : i32
      %dma_wait3A_160 = tpu.memref_slice %arg5[%add3A_63, %dma_wait3A_159] : memref<32768x128xf32, #tpu.memory_space<hbm>> -> memref<128x128xf32, #tpu.memory_space<hbm>>
      %dma_wait3A_161 = arith.constant 0 : i32
      %dma_wait3A_162 = tpu.memref_slice %arg5[%add3A_63, %dma_wait3A_161] : memref<32768x128xf32, #tpu.memory_space<hbm>> -> memref<128x128xf32, #tpu.memory_space<hbm>>
      tpu.wait_dma2 semaphore(%run_scoped3A : memref<!tpu.dma_semaphore, #tpu.memory_space<semaphore_mem>>) src(%arg7 : memref<128x128xf32, #tpu.memory_space<vmem>>) dst(%dma_wait3A_162 : memref<128x128xf32, #tpu.memory_space<hbm>>)
      tpu.yield
    }) : () -> ()
    %dma_start3A_64 = arith.constant 4 : i32
    %dma_start3A_65 = arith.constant 0 : i32
    %dma_start3A_66 = tpu.memref_slice %arg6[%dma_start3A_64, %dma_start3A_65] : memref<8x128xi32, #tpu.memory_space<vmem>> -> memref<1x128xi32, #tpu.memory_space<vmem>>
    %dma_start3A_67 = tpu.memref_squeeze %dma_start3A_66 : memref<1x128xi32, #tpu.memory_space<vmem>> -> memref<128xi32, #tpu.memory_space<vmem>>
    %dma_start3A_68 = arith.constant 0 : i32
    %dma_start3A_69 = arith.constant 0 : i32
    %dma_start3A_70 = tpu.memref_slice %arg2[%dma_start3A_68, %dma_start3A_69] : memref<8192x128xf32, #tpu.memory_space<hbm>> -> memref<8192x128xf32, #tpu.memory_space<hbm>>
    tpu.enqueue_indirect_dma source(%dma_start3A_70 : memref<8192x128xf32, #tpu.memory_space<hbm>>) target(%arg7 : memref<128x128xf32, #tpu.memory_space<vmem>>) offsets(%dma_start3A_67 : memref<128xi32, #tpu.memory_space<vmem>>) semaphore(%arg9 : memref<!tpu.dma_semaphore, #tpu.memory_space<semaphore_mem>>)
    %dma_wait3A_71 = arith.constant 3 : i32
    %dma_wait3A_72 = arith.constant 0 : i32
    %dma_wait3A_73 = tpu.memref_slice %arg6[%dma_wait3A_71, %dma_wait3A_72] : memref<8x128xi32, #tpu.memory_space<vmem>> -> memref<1x128xi32, #tpu.memory_space<vmem>>
    %dma_wait3A_74 = tpu.memref_squeeze %dma_wait3A_73 : memref<1x128xi32, #tpu.memory_space<vmem>> -> memref<128xi32, #tpu.memory_space<vmem>>
    %dma_wait3A_75 = arith.constant 0 : i32
    %dma_wait3A_76 = arith.constant 0 : i32
    %dma_wait3A_77 = tpu.memref_slice %arg2[%dma_wait3A_75, %dma_wait3A_76] : memref<8192x128xf32, #tpu.memory_space<hbm>> -> memref<8192x128xf32, #tpu.memory_space<hbm>>
    tpu.wait_indirect_dma semaphore(%arg10 : memref<!tpu.dma_semaphore, #tpu.memory_space<semaphore_mem>>) src(%dma_wait3A_77 : memref<8192x128xf32, #tpu.memory_space<hbm>>) dst(%arg8 : memref<128x128xf32, #tpu.memory_space<vmem>>)
    %mul3A_78 = arith.constant 512 : i32
    %mul3A_79 = arith.muli %add3A, %mul3A_78 : i32
    %add3A_80 = arith.constant 384 : i32
    %add3A_81 = arith.addi %mul3A_79, %add3A_80 : i32
    "tpu.region"() ({
      %run_scoped3A = tpu.sem_alloc : memref<!tpu.dma_semaphore, #tpu.memory_space<semaphore_mem>>
      %dma_start3A_155 = arith.constant 0 : i32
      %dma_start3A_156 = tpu.memref_slice %arg5[%add3A_81, %dma_start3A_155] : memref<32768x128xf32, #tpu.memory_space<hbm>> -> memref<128x128xf32, #tpu.memory_space<hbm>>
      %dma_start3A_157 = arith.constant 0 : i32
      %dma_start3A_158 = tpu.memref_slice %arg5[%add3A_81, %dma_start3A_157] : memref<32768x128xf32, #tpu.memory_space<hbm>> -> memref<128x128xf32, #tpu.memory_space<hbm>>
      tpu.enqueue_dma source(%arg8 : memref<128x128xf32, #tpu.memory_space<vmem>>) target(%dma_start3A_158 : memref<128x128xf32, #tpu.memory_space<hbm>>) target_semaphore(%run_scoped3A : memref<!tpu.dma_semaphore, #tpu.memory_space<semaphore_mem>>)
      %dma_wait3A_159 = arith.constant 0 : i32
      %dma_wait3A_160 = tpu.memref_slice %arg5[%add3A_81, %dma_wait3A_159] : memref<32768x128xf32, #tpu.memory_space<hbm>> -> memref<128x128xf32, #tpu.memory_space<hbm>>
      %dma_wait3A_161 = arith.constant 0 : i32
      %dma_wait3A_162 = tpu.memref_slice %arg5[%add3A_81, %dma_wait3A_161] : memref<32768x128xf32, #tpu.memory_space<hbm>> -> memref<128x128xf32, #tpu.memory_space<hbm>>
      tpu.wait_dma2 semaphore(%run_scoped3A : memref<!tpu.dma_semaphore, #tpu.memory_space<semaphore_mem>>) src(%arg8 : memref<128x128xf32, #tpu.memory_space<vmem>>) dst(%dma_wait3A_162 : memref<128x128xf32, #tpu.memory_space<hbm>>)
      tpu.yield
    }) : () -> ()
    %dma_start3A_82 = arith.constant 5 : i32
    %dma_start3A_83 = arith.constant 0 : i32
    %dma_start3A_84 = tpu.memref_slice %arg6[%dma_start3A_82, %dma_start3A_83] : memref<8x128xi32, #tpu.memory_space<vmem>> -> memref<1x128xi32, #tpu.memory_space<vmem>>
    %dma_start3A_85 = tpu.memref_squeeze %dma_start3A_84 : memref<1x128xi32, #tpu.memory_space<vmem>> -> memref<128xi32, #tpu.memory_space<vmem>>
    %dma_start3A_86 = arith.constant 0 : i32
    %dma_start3A_87 = arith.constant 0 : i32
    %dma_start3A_88 = tpu.memref_slice %arg2[%dma_start3A_86, %dma_start3A_87] : memref<8192x128xf32, #tpu.memory_space<hbm>> -> memref<8192x128xf32, #tpu.memory_space<hbm>>
    tpu.enqueue_indirect_dma source(%dma_start3A_88 : memref<8192x128xf32, #tpu.memory_space<hbm>>) target(%arg8 : memref<128x128xf32, #tpu.memory_space<vmem>>) offsets(%dma_start3A_85 : memref<128xi32, #tpu.memory_space<vmem>>) semaphore(%arg10 : memref<!tpu.dma_semaphore, #tpu.memory_space<semaphore_mem>>)
    %dma_wait3A_89 = arith.constant 4 : i32
    %dma_wait3A_90 = arith.constant 0 : i32
    %dma_wait3A_91 = tpu.memref_slice %arg6[%dma_wait3A_89, %dma_wait3A_90] : memref<8x128xi32, #tpu.memory_space<vmem>> -> memref<1x128xi32, #tpu.memory_space<vmem>>
    %dma_wait3A_92 = tpu.memref_squeeze %dma_wait3A_91 : memref<1x128xi32, #tpu.memory_space<vmem>> -> memref<128xi32, #tpu.memory_space<vmem>>
    %dma_wait3A_93 = arith.constant 0 : i32
    %dma_wait3A_94 = arith.constant 0 : i32
    %dma_wait3A_95 = tpu.memref_slice %arg2[%dma_wait3A_93, %dma_wait3A_94] : memref<8192x128xf32, #tpu.memory_space<hbm>> -> memref<8192x128xf32, #tpu.memory_space<hbm>>
    tpu.wait_indirect_dma semaphore(%arg9 : memref<!tpu.dma_semaphore, #tpu.memory_space<semaphore_mem>>) src(%dma_wait3A_95 : memref<8192x128xf32, #tpu.memory_space<hbm>>) dst(%arg7 : memref<128x128xf32, #tpu.memory_space<vmem>>)
    %mul3A_96 = arith.constant 512 : i32
    %mul3A_97 = arith.muli %add3A, %mul3A_96 : i32
    %add3A_98 = arith.constant 16384 : i32
    %add3A_99 = arith.addi %add3A_98, %mul3A_97 : i32
    %add3A_100 = arith.constant 0 : i32
    %add3A_101 = arith.addi %add3A_99, %add3A_100 : i32
    "tpu.region"() ({
      %run_scoped3A = tpu.sem_alloc : memref<!tpu.dma_semaphore, #tpu.memory_space<semaphore_mem>>
      %dma_start3A_155 = arith.constant 0 : i32
      %dma_start3A_156 = tpu.memref_slice %arg5[%add3A_101, %dma_start3A_155] : memref<32768x128xf32, #tpu.memory_space<hbm>> -> memref<128x128xf32, #tpu.memory_space<hbm>>
      %dma_start3A_157 = arith.constant 0 : i32
      %dma_start3A_158 = tpu.memref_slice %arg5[%add3A_101, %dma_start3A_157] : memref<32768x128xf32, #tpu.memory_space<hbm>> -> memref<128x128xf32, #tpu.memory_space<hbm>>
      tpu.enqueue_dma source(%arg7 : memref<128x128xf32, #tpu.memory_space<vmem>>) target(%dma_start3A_158 : memref<128x128xf32, #tpu.memory_space<hbm>>) target_semaphore(%run_scoped3A : memref<!tpu.dma_semaphore, #tpu.memory_space<semaphore_mem>>)
      %dma_wait3A_159 = arith.constant 0 : i32
      %dma_wait3A_160 = tpu.memref_slice %arg5[%add3A_101, %dma_wait3A_159] : memref<32768x128xf32, #tpu.memory_space<hbm>> -> memref<128x128xf32, #tpu.memory_space<hbm>>
      %dma_wait3A_161 = arith.constant 0 : i32
      %dma_wait3A_162 = tpu.memref_slice %arg5[%add3A_101, %dma_wait3A_161] : memref<32768x128xf32, #tpu.memory_space<hbm>> -> memref<128x128xf32, #tpu.memory_space<hbm>>
      tpu.wait_dma2 semaphore(%run_scoped3A : memref<!tpu.dma_semaphore, #tpu.memory_space<semaphore_mem>>) src(%arg7 : memref<128x128xf32, #tpu.memory_space<vmem>>) dst(%dma_wait3A_162 : memref<128x128xf32, #tpu.memory_space<hbm>>)
      tpu.yield
    }) : () -> ()
    %dma_start3A_102 = arith.constant 6 : i32
    %dma_start3A_103 = arith.constant 0 : i32
    %dma_start3A_104 = tpu.memref_slice %arg6[%dma_start3A_102, %dma_start3A_103] : memref<8x128xi32, #tpu.memory_space<vmem>> -> memref<1x128xi32, #tpu.memory_space<vmem>>
    %dma_start3A_105 = tpu.memref_squeeze %dma_start3A_104 : memref<1x128xi32, #tpu.memory_space<vmem>> -> memref<128xi32, #tpu.memory_space<vmem>>
    %dma_start3A_106 = arith.constant 0 : i32
    %dma_start3A_107 = arith.constant 0 : i32
    %dma_start3A_108 = tpu.memref_slice %arg2[%dma_start3A_106, %dma_start3A_107] : memref<8192x128xf32, #tpu.memory_space<hbm>> -> memref<8192x128xf32, #tpu.memory_space<hbm>>
    tpu.enqueue_indirect_dma source(%dma_start3A_108 : memref<8192x128xf32, #tpu.memory_space<hbm>>) target(%arg7 : memref<128x128xf32, #tpu.memory_space<vmem>>) offsets(%dma_start3A_105 : memref<128xi32, #tpu.memory_space<vmem>>) semaphore(%arg9 : memref<!tpu.dma_semaphore, #tpu.memory_space<semaphore_mem>>)
    %dma_wait3A_109 = arith.constant 5 : i32
    %dma_wait3A_110 = arith.constant 0 : i32
    %dma_wait3A_111 = tpu.memref_slice %arg6[%dma_wait3A_109, %dma_wait3A_110] : memref<8x128xi32, #tpu.memory_space<vmem>> -> memref<1x128xi32, #tpu.memory_space<vmem>>
    %dma_wait3A_112 = tpu.memref_squeeze %dma_wait3A_111 : memref<1x128xi32, #tpu.memory_space<vmem>> -> memref<128xi32, #tpu.memory_space<vmem>>
    %dma_wait3A_113 = arith.constant 0 : i32
    %dma_wait3A_114 = arith.constant 0 : i32
    %dma_wait3A_115 = tpu.memref_slice %arg2[%dma_wait3A_113, %dma_wait3A_114] : memref<8192x128xf32, #tpu.memory_space<hbm>> -> memref<8192x128xf32, #tpu.memory_space<hbm>>
    tpu.wait_indirect_dma semaphore(%arg10 : memref<!tpu.dma_semaphore, #tpu.memory_space<semaphore_mem>>) src(%dma_wait3A_115 : memref<8192x128xf32, #tpu.memory_space<hbm>>) dst(%arg8 : memref<128x128xf32, #tpu.memory_space<vmem>>)
    %mul3A_116 = arith.constant 512 : i32
    %mul3A_117 = arith.muli %add3A, %mul3A_116 : i32
    %add3A_118 = arith.constant 16384 : i32
    %add3A_119 = arith.addi %add3A_118, %mul3A_117 : i32
    %add3A_120 = arith.constant 128 : i32
    %add3A_121 = arith.addi %add3A_119, %add3A_120 : i32
    "tpu.region"() ({
      %run_scoped3A = tpu.sem_alloc : memref<!tpu.dma_semaphore, #tpu.memory_space<semaphore_mem>>
      %dma_start3A_155 = arith.constant 0 : i32
      %dma_start3A_156 = tpu.memref_slice %arg5[%add3A_121, %dma_start3A_155] : memref<32768x128xf32, #tpu.memory_space<hbm>> -> memref<128x128xf32, #tpu.memory_space<hbm>>
      %dma_start3A_157 = arith.constant 0 : i32
      %dma_start3A_158 = tpu.memref_slice %arg5[%add3A_121, %dma_start3A_157] : memref<32768x128xf32, #tpu.memory_space<hbm>> -> memref<128x128xf32, #tpu.memory_space<hbm>>
      tpu.enqueue_dma source(%arg8 : memref<128x128xf32, #tpu.memory_space<vmem>>) target(%dma_start3A_158 : memref<128x128xf32, #tpu.memory_space<hbm>>) target_semaphore(%run_scoped3A : memref<!tpu.dma_semaphore, #tpu.memory_space<semaphore_mem>>)
      %dma_wait3A_159 = arith.constant 0 : i32
      %dma_wait3A_160 = tpu.memref_slice %arg5[%add3A_121, %dma_wait3A_159] : memref<32768x128xf32, #tpu.memory_space<hbm>> -> memref<128x128xf32, #tpu.memory_space<hbm>>
      %dma_wait3A_161 = arith.constant 0 : i32
      %dma_wait3A_162 = tpu.memref_slice %arg5[%add3A_121, %dma_wait3A_161] : memref<32768x128xf32, #tpu.memory_space<hbm>> -> memref<128x128xf32, #tpu.memory_space<hbm>>
      tpu.wait_dma2 semaphore(%run_scoped3A : memref<!tpu.dma_semaphore, #tpu.memory_space<semaphore_mem>>) src(%arg8 : memref<128x128xf32, #tpu.memory_space<vmem>>) dst(%dma_wait3A_162 : memref<128x128xf32, #tpu.memory_space<hbm>>)
      tpu.yield
    }) : () -> ()
    %dma_start3A_122 = arith.constant 7 : i32
    %dma_start3A_123 = arith.constant 0 : i32
    %dma_start3A_124 = tpu.memref_slice %arg6[%dma_start3A_122, %dma_start3A_123] : memref<8x128xi32, #tpu.memory_space<vmem>> -> memref<1x128xi32, #tpu.memory_space<vmem>>
    %dma_start3A_125 = tpu.memref_squeeze %dma_start3A_124 : memref<1x128xi32, #tpu.memory_space<vmem>> -> memref<128xi32, #tpu.memory_space<vmem>>
    %dma_start3A_126 = arith.constant 0 : i32
    %dma_start3A_127 = arith.constant 0 : i32
    %dma_start3A_128 = tpu.memref_slice %arg2[%dma_start3A_126, %dma_start3A_127] : memref<8192x128xf32, #tpu.memory_space<hbm>> -> memref<8192x128xf32, #tpu.memory_space<hbm>>
    tpu.enqueue_indirect_dma source(%dma_start3A_128 : memref<8192x128xf32, #tpu.memory_space<hbm>>) target(%arg8 : memref<128x128xf32, #tpu.memory_space<vmem>>) offsets(%dma_start3A_125 : memref<128xi32, #tpu.memory_space<vmem>>) semaphore(%arg10 : memref<!tpu.dma_semaphore, #tpu.memory_space<semaphore_mem>>)
    %dma_wait3A_129 = arith.constant 6 : i32
    %dma_wait3A_130 = arith.constant 0 : i32
    %dma_wait3A_131 = tpu.memref_slice %arg6[%dma_wait3A_129, %dma_wait3A_130] : memref<8x128xi32, #tpu.memory_space<vmem>> -> memref<1x128xi32, #tpu.memory_space<vmem>>
    %dma_wait3A_132 = tpu.memref_squeeze %dma_wait3A_131 : memref<1x128xi32, #tpu.memory_space<vmem>> -> memref<128xi32, #tpu.memory_space<vmem>>
    %dma_wait3A_133 = arith.constant 0 : i32
    %dma_wait3A_134 = arith.constant 0 : i32
    %dma_wait3A_135 = tpu.memref_slice %arg2[%dma_wait3A_133, %dma_wait3A_134] : memref<8192x128xf32, #tpu.memory_space<hbm>> -> memref<8192x128xf32, #tpu.memory_space<hbm>>
    tpu.wait_indirect_dma semaphore(%arg9 : memref<!tpu.dma_semaphore, #tpu.memory_space<semaphore_mem>>) src(%dma_wait3A_135 : memref<8192x128xf32, #tpu.memory_space<hbm>>) dst(%arg7 : memref<128x128xf32, #tpu.memory_space<vmem>>)
    %mul3A_136 = arith.constant 512 : i32
    %mul3A_137 = arith.muli %add3A, %mul3A_136 : i32
    %add3A_138 = arith.constant 16384 : i32
    %add3A_139 = arith.addi %add3A_138, %mul3A_137 : i32
    %add3A_140 = arith.constant 256 : i32
    %add3A_141 = arith.addi %add3A_139, %add3A_140 : i32
    "tpu.region"() ({
      %run_scoped3A = tpu.sem_alloc : memref<!tpu.dma_semaphore, #tpu.memory_space<semaphore_mem>>
      %dma_start3A_155 = arith.constant 0 : i32
      %dma_start3A_156 = tpu.memref_slice %arg5[%add3A_141, %dma_start3A_155] : memref<32768x128xf32, #tpu.memory_space<hbm>> -> memref<128x128xf32, #tpu.memory_space<hbm>>
      %dma_start3A_157 = arith.constant 0 : i32
      %dma_start3A_158 = tpu.memref_slice %arg5[%add3A_141, %dma_start3A_157] : memref<32768x128xf32, #tpu.memory_space<hbm>> -> memref<128x128xf32, #tpu.memory_space<hbm>>
      tpu.enqueue_dma source(%arg7 : memref<128x128xf32, #tpu.memory_space<vmem>>) target(%dma_start3A_158 : memref<128x128xf32, #tpu.memory_space<hbm>>) target_semaphore(%run_scoped3A : memref<!tpu.dma_semaphore, #tpu.memory_space<semaphore_mem>>)
      %dma_wait3A_159 = arith.constant 0 : i32
      %dma_wait3A_160 = tpu.memref_slice %arg5[%add3A_141, %dma_wait3A_159] : memref<32768x128xf32, #tpu.memory_space<hbm>> -> memref<128x128xf32, #tpu.memory_space<hbm>>
      %dma_wait3A_161 = arith.constant 0 : i32
      %dma_wait3A_162 = tpu.memref_slice %arg5[%add3A_141, %dma_wait3A_161] : memref<32768x128xf32, #tpu.memory_space<hbm>> -> memref<128x128xf32, #tpu.memory_space<hbm>>
      tpu.wait_dma2 semaphore(%run_scoped3A : memref<!tpu.dma_semaphore, #tpu.memory_space<semaphore_mem>>) src(%arg7 : memref<128x128xf32, #tpu.memory_space<vmem>>) dst(%dma_wait3A_162 : memref<128x128xf32, #tpu.memory_space<hbm>>)
      tpu.yield
    }) : () -> ()
    %dma_wait3A_142 = arith.constant 7 : i32
    %dma_wait3A_143 = arith.constant 0 : i32
    %dma_wait3A_144 = tpu.memref_slice %arg6[%dma_wait3A_142, %dma_wait3A_143] : memref<8x128xi32, #tpu.memory_space<vmem>> -> memref<1x128xi32, #tpu.memory_space<vmem>>
    %dma_wait3A_145 = tpu.memref_squeeze %dma_wait3A_144 : memref<1x128xi32, #tpu.memory_space<vmem>> -> memref<128xi32, #tpu.memory_space<vmem>>
    %dma_wait3A_146 = arith.constant 0 : i32
    %dma_wait3A_147 = arith.constant 0 : i32
    %dma_wait3A_148 = tpu.memref_slice %arg2[%dma_wait3A_146, %dma_wait3A_147] : memref<8192x128xf32, #tpu.memory_space<hbm>> -> memref<8192x128xf32, #tpu.memory_space<hbm>>
    tpu.wait_indirect_dma semaphore(%arg10 : memref<!tpu.dma_semaphore, #tpu.memory_space<semaphore_mem>>) src(%dma_wait3A_148 : memref<8192x128xf32, #tpu.memory_space<hbm>>) dst(%arg8 : memref<128x128xf32, #tpu.memory_space<vmem>>)
    %mul3A_149 = arith.constant 512 : i32
    %mul3A_150 = arith.muli %add3A, %mul3A_149 : i32
    %add3A_151 = arith.constant 16384 : i32
    %add3A_152 = arith.addi %add3A_151, %mul3A_150 : i32
    %add3A_153 = arith.constant 384 : i32
    %add3A_154 = arith.addi %add3A_152, %add3A_153 : i32
    "tpu.region"() ({
      %run_scoped3A = tpu.sem_alloc : memref<!tpu.dma_semaphore, #tpu.memory_space<semaphore_mem>>
      %dma_start3A_155 = arith.constant 0 : i32
      %dma_start3A_156 = tpu.memref_slice %arg5[%add3A_154, %dma_start3A_155] : memref<32768x128xf32, #tpu.memory_space<hbm>> -> memref<128x128xf32, #tpu.memory_space<hbm>>
      %dma_start3A_157 = arith.constant 0 : i32
      %dma_start3A_158 = tpu.memref_slice %arg5[%add3A_154, %dma_start3A_157] : memref<32768x128xf32, #tpu.memory_space<hbm>> -> memref<128x128xf32, #tpu.memory_space<hbm>>
      tpu.enqueue_dma source(%arg8 : memref<128x128xf32, #tpu.memory_space<vmem>>) target(%dma_start3A_158 : memref<128x128xf32, #tpu.memory_space<hbm>>) target_semaphore(%run_scoped3A : memref<!tpu.dma_semaphore, #tpu.memory_space<semaphore_mem>>)
      %dma_wait3A_159 = arith.constant 0 : i32
      %dma_wait3A_160 = tpu.memref_slice %arg5[%add3A_154, %dma_wait3A_159] : memref<32768x128xf32, #tpu.memory_space<hbm>> -> memref<128x128xf32, #tpu.memory_space<hbm>>
      %dma_wait3A_161 = arith.constant 0 : i32
      %dma_wait3A_162 = tpu.memref_slice %arg5[%add3A_154, %dma_wait3A_161] : memref<32768x128xf32, #tpu.memory_space<hbm>> -> memref<128x128xf32, #tpu.memory_space<hbm>>
      tpu.wait_dma2 semaphore(%run_scoped3A : memref<!tpu.dma_semaphore, #tpu.memory_space<semaphore_mem>>) src(%arg8 : memref<128x128xf32, #tpu.memory_space<vmem>>) dst(%dma_wait3A_162 : memref<128x128xf32, #tpu.memory_space<hbm>>)
      tpu.yield
    }) : () -> ()
    return
  }
}

module attributes {stable_mosaic.version = 14 : i64} {
  func.func @body(%arg0: i32, %arg1: memref<256x2x16x128xf32, #tpu.memory_space<vmem>>, %arg2: memref<256x2x16x128xf32, #tpu.memory_space<vmem>>, %arg3: memref<1x512x128xf32, #tpu.memory_space<vmem>>, %arg4: memref<1x512x128xf32, #tpu.memory_space<vmem>>, %arg5: memref<256x2x16x128xf32, #tpu.memory_space<vmem>>, %arg6: memref<256x2x16x128xf32, #tpu.memory_space<vmem>>) attributes {dimension_semantics = [#tpu.dimension_semantics<parallel>], iteration_bounds = array<i64: 32>, scalar_prefetch = 0 : i64, scratch_operands = 0 : i64, tpu.core_type = #tpu.core_type<tc>, window_params = [{transform_indices = @transform_0, window_bounds = array<i64: 256, 2, 16, 128>}, {transform_indices = @transform_1, window_bounds = array<i64: 256, 2, 16, 128>}, {transform_indices = @transform_2, window_bounds = array<i64: 1, 512, 128>}, {transform_indices = @transform_3, window_bounds = array<i64: 1, 512, 128>}, {transform_indices = @transform_4, window_bounds = array<i64: 256, 2, 16, 128>}, {transform_indices = @transform_5, window_bounds = array<i64: 256, 2, 16, 128>}]} {
    %iota3A = tpu.iota {dimensions = array<i32: 3>} : vector<256x2x16x128xi32>
    %xor3A = arith.constant 1 : i32
    %xor3A_0 = vector.broadcast %xor3A : i32 to vector<256x2x16x128xi32>
    %xor3A_1 = arith.xori %iota3A, %xor3A_0 : vector<256x2x16x128xi32>
    %iota3A_2 = tpu.iota {dimensions = array<i32: 0>} : vector<128x256xi32>
    %iota3A_3 = tpu.iota {dimensions = array<i32: 1>} : vector<128x256xi32>
    %lt3A = arith.constant 64 : i32
    %lt3A_4 = vector.broadcast %lt3A : i32 to vector<128x256xi32>
    %lt3A_5 = arith.cmpi slt, %iota3A_2, %lt3A_4 : vector<128x256xi32>
    %lt3A_6 = arith.constant 128 : i32
    %lt3A_7 = vector.broadcast %lt3A_6 : i32 to vector<128x256xi32>
    %lt3A_8 = arith.cmpi slt, %iota3A_3, %lt3A_7 : vector<128x256xi32>
    %and3A = arith.andi %lt3A_5, %lt3A_8 : vector<128x256xi1>
    %shift_right_arithmetic3A = arith.constant 1 : i32
    %shift_right_arithmetic3A_9 = vector.broadcast %shift_right_arithmetic3A : i32 to vector<128x256xi32>
    %shift_right_arithmetic3A_10 = arith.shrsi %iota3A_3, %shift_right_arithmetic3A_9 : vector<128x256xi32>
    %eq3A = arith.cmpi eq, %shift_right_arithmetic3A_10, %iota3A_2 : vector<128x256xi32>
    %and3A_11 = arith.andi %and3A, %eq3A : vector<128x256xi1>
    %ge3A = arith.constant 64 : i32
    %ge3A_12 = vector.broadcast %ge3A : i32 to vector<128x256xi32>
    %ge3A_13 = arith.cmpi sge, %iota3A_2, %ge3A_12 : vector<128x256xi32>
    %ge3A_14 = arith.constant 128 : i32
    %ge3A_15 = vector.broadcast %ge3A_14 : i32 to vector<128x256xi32>
    %ge3A_16 = arith.cmpi sge, %iota3A_3, %ge3A_15 : vector<128x256xi32>
    %and3A_17 = arith.andi %ge3A_13, %ge3A_16 : vector<128x256xi1>
    %sub3A = arith.constant 128 : i32
    %sub3A_18 = vector.broadcast %sub3A : i32 to vector<128x256xi32>
    %sub3A_19 = arith.subi %iota3A_3, %sub3A_18 : vector<128x256xi32>
    %shift_right_arithmetic3A_20 = arith.constant 1 : i32
    %shift_right_arithmetic3A_21 = vector.broadcast %shift_right_arithmetic3A_20 : i32 to vector<128x256xi32>
    %shift_right_arithmetic3A_22 = arith.shrsi %sub3A_19, %shift_right_arithmetic3A_21 : vector<128x256xi32>
    %sub3A_23 = arith.constant 64 : i32
    %sub3A_24 = vector.broadcast %sub3A_23 : i32 to vector<128x256xi32>
    %sub3A_25 = arith.subi %iota3A_2, %sub3A_24 : vector<128x256xi32>
    %eq3A_26 = arith.cmpi eq, %shift_right_arithmetic3A_22, %sub3A_25 : vector<128x256xi32>
    %and3A_27 = arith.andi %and3A_17, %eq3A_26 : vector<128x256xi1>
    %and3A_28 = arith.constant 1 : i32
    %and3A_29 = vector.broadcast %and3A_28 : i32 to vector<128x256xi32>
    %and3A_30 = arith.andi %iota3A_3, %and3A_29 : vector<128x256xi32>
    %eq3A_31 = arith.constant 1 : i32
    %eq3A_32 = vector.broadcast %eq3A_31 : i32 to vector<128x256xi32>
    %eq3A_33 = arith.cmpi eq, %and3A_30, %eq3A_32 : vector<128x256xi32>
    %jit3A = arith.constant 1.000000e+00 : f32
    %jit3A_34 = arith.constant -1.000000e+00 : f32
    %broadcast_in_dim3A = vector.broadcast %jit3A : f32 to vector<128x256xf32>
    %broadcast_in_dim3A_35 = vector.broadcast %jit3A_34 : f32 to vector<128x256xf32>
    %select_n3A = arith.select %eq3A_33, %broadcast_in_dim3A, %broadcast_in_dim3A_35 : vector<128x256xi1>, vector<128x256xf32>
    %jit3A_36 = arith.constant 1.000000e+00 : f32
    %jit3A_37 = arith.constant 0.000000e+00 : f32
    %broadcast_in_dim3A_38 = vector.broadcast %jit3A_36 : f32 to vector<128x256xf32>
    %broadcast_in_dim3A_39 = vector.broadcast %jit3A_37 : f32 to vector<128x256xf32>
    %select_n3A_40 = arith.select %and3A_11, %broadcast_in_dim3A_38, %broadcast_in_dim3A_39 : vector<128x256xi1>, vector<128x256xf32>
    %jit3A_41 = arith.constant 0.000000e+00 : f32
    %broadcast_in_dim3A_42 = vector.broadcast %jit3A_41 : f32 to vector<128x256xf32>
    %select_n3A_43 = arith.select %and3A_27, %select_n3A, %broadcast_in_dim3A_42 : vector<128x256xi1>, vector<128x256xf32>
    %add3A = arith.addf %select_n3A_40, %select_n3A_43 : vector<128x256xf32>
    %get3A = arith.constant 0 : index
    %get3A_44 = arith.constant 0 : index
    %get3A_45 = arith.constant 0 : index
    %get3A_46 = arith.constant 0 : index
    %get3A_47 = vector.load %arg1[%get3A, %get3A_44, %get3A_45, %get3A_46] : memref<256x2x16x128xf32, #tpu.memory_space<vmem>>, vector<256x2x16x128xf32>
    %get3A_48 = arith.constant 0 : index
    %get3A_49 = arith.constant 0 : index
    %get3A_50 = arith.constant 0 : index
    %get3A_51 = vector.load %arg3[%get3A_48, %get3A_49, %get3A_50] : memref<1x512x128xf32, #tpu.memory_space<vmem>>, vector<1x512x128xf32>
    %reshape3A = vector.shape_cast %get3A_51 : vector<1x512x128xf32> to vector<512x128xf32>
    %dot_general3A = arith.constant dense<0.000000e+00> : vector<512x256xf32>
    %dot_general3A_52 = tpu.matmul %reshape3A, %add3A, %dot_general3A {dimension_numbers = #tpu.dot_dimension_numbers<[1], [0], [0], [1], [0, 0, 1, 1], [], []>, precision = #tpu.contract_precision<fp32>, transpose_lhs_hint = false} : vector<512x128xf32>, vector<128x256xf32>, vector<512x256xf32> -> vector<512x256xf32>
    %slice3A = vector.extract_strided_slice %dot_general3A_52 {offsets = [0, 0], sizes = [512, 128], strides = [1, 1]} : vector<512x256xf32> to vector<512x128xf32>
    %reshape3A_53 = vector.shape_cast %slice3A : vector<512x128xf32> to vector<256x2x1x128xf32>
    %slice3A_54 = vector.extract_strided_slice %dot_general3A_52 {offsets = [0, 128], sizes = [512, 128], strides = [1, 1]} : vector<512x256xf32> to vector<512x128xf32>
    %reshape3A_55 = vector.shape_cast %slice3A_54 : vector<512x128xf32> to vector<256x2x1x128xf32>
    %lt3A_56 = arith.constant 0 : i32
    %lt3A_57 = vector.broadcast %lt3A_56 : i32 to vector<256x2x16x128xi32>
    %lt3A_58 = arith.cmpi slt, %xor3A_1, %lt3A_57 : vector<256x2x16x128xi32>
    %add3A_59 = arith.constant 128 : i32
    %add3A_60 = vector.broadcast %add3A_59 : i32 to vector<256x2x16x128xi32>
    %add3A_61 = arith.addi %xor3A_1, %add3A_60 : vector<256x2x16x128xi32>
    %select_n3A_62 = arith.select %lt3A_58, %add3A_61, %xor3A_1 : vector<256x2x16x128xi1>, vector<256x2x16x128xi32>
    %reshape3A_63 = vector.shape_cast %select_n3A_62 : vector<256x2x16x128xi32> to vector<256x2x16x128x1xi32>
    %gather3A = vector.shape_cast %reshape3A_63 : vector<256x2x16x128x1xi32> to vector<256x2x16x128xi32>
    %gather3A_64 = tpu.dynamic_gather %get3A_47[%gather3A] in [3] : vector<256x2x16x128xf32>, vector<256x2x16x128xi32> -> vector<256x2x16x128xf32>
    %mul3A = vector.broadcast %reshape3A_53 : vector<256x2x1x128xf32> to vector<256x2x16x128xf32>
    %mul3A_65 = arith.mulf %get3A_47, %mul3A : vector<256x2x16x128xf32>
    %mul3A_66 = vector.broadcast %reshape3A_55 : vector<256x2x1x128xf32> to vector<256x2x16x128xf32>
    %mul3A_67 = arith.mulf %gather3A_64, %mul3A_66 : vector<256x2x16x128xf32>
    %add3A_68 = arith.addf %mul3A_65, %mul3A_67 : vector<256x2x16x128xf32>
    %swap3A = arith.constant 0 : index
    %swap3A_69 = arith.constant 0 : index
    %swap3A_70 = arith.constant 0 : index
    %swap3A_71 = arith.constant 0 : index
    %swap3A_72 = vector.load %arg5[%swap3A, %swap3A_69, %swap3A_70, %swap3A_71] : memref<256x2x16x128xf32, #tpu.memory_space<vmem>>, vector<256x2x16x128xf32>
    tpu.vector_store %arg5[%swap3A, %swap3A_69, %swap3A_70, %swap3A_71], %add3A_68 {strides = array<i32>} : memref<256x2x16x128xf32, #tpu.memory_space<vmem>>, vector<256x2x16x128xf32>,
    %get3A_73 = arith.constant 0 : index
    %get3A_74 = arith.constant 0 : index
    %get3A_75 = arith.constant 0 : index
    %get3A_76 = arith.constant 0 : index
    %get3A_77 = vector.load %arg2[%get3A_73, %get3A_74, %get3A_75, %get3A_76] : memref<256x2x16x128xf32, #tpu.memory_space<vmem>>, vector<256x2x16x128xf32>
    %get3A_78 = arith.constant 0 : index
    %get3A_79 = arith.constant 0 : index
    %get3A_80 = arith.constant 0 : index
    %get3A_81 = vector.load %arg4[%get3A_78, %get3A_79, %get3A_80] : memref<1x512x128xf32, #tpu.memory_space<vmem>>, vector<1x512x128xf32>
    %reshape3A_82 = vector.shape_cast %get3A_81 : vector<1x512x128xf32> to vector<512x128xf32>
    %dot_general3A_83 = arith.constant dense<0.000000e+00> : vector<512x256xf32>
    %dot_general3A_84 = tpu.matmul %reshape3A_82, %add3A, %dot_general3A_83 {dimension_numbers = #tpu.dot_dimension_numbers<[1], [0], [0], [1], [0, 0, 1, 1], [], []>, precision = #tpu.contract_precision<fp32>, transpose_lhs_hint = false} : vector<512x128xf32>, vector<128x256xf32>, vector<512x256xf32> -> vector<512x256xf32>
    %slice3A_85 = vector.extract_strided_slice %dot_general3A_84 {offsets = [0, 0], sizes = [512, 128], strides = [1, 1]} : vector<512x256xf32> to vector<512x128xf32>
    %reshape3A_86 = vector.shape_cast %slice3A_85 : vector<512x128xf32> to vector<256x2x1x128xf32>
    %slice3A_87 = vector.extract_strided_slice %dot_general3A_84 {offsets = [0, 128], sizes = [512, 128], strides = [1, 1]} : vector<512x256xf32> to vector<512x128xf32>
    %reshape3A_88 = vector.shape_cast %slice3A_87 : vector<512x128xf32> to vector<256x2x1x128xf32>
    %lt3A_89 = arith.constant 0 : i32
    %lt3A_90 = vector.broadcast %lt3A_89 : i32 to vector<256x2x16x128xi32>
    %lt3A_91 = arith.cmpi slt, %xor3A_1, %lt3A_90 : vector<256x2x16x128xi32>
    %add3A_92 = arith.constant 128 : i32
    %add3A_93 = vector.broadcast %add3A_92 : i32 to vector<256x2x16x128xi32>
    %add3A_94 = arith.addi %xor3A_1, %add3A_93 : vector<256x2x16x128xi32>
    %select_n3A_95 = arith.select %lt3A_91, %add3A_94, %xor3A_1 : vector<256x2x16x128xi1>, vector<256x2x16x128xi32>
    %reshape3A_96 = vector.shape_cast %select_n3A_95 : vector<256x2x16x128xi32> to vector<256x2x16x128x1xi32>
    %gather3A_97 = vector.shape_cast %reshape3A_96 : vector<256x2x16x128x1xi32> to vector<256x2x16x128xi32>
    %gather3A_98 = tpu.dynamic_gather %get3A_77[%gather3A_97] in [3] : vector<256x2x16x128xf32>, vector<256x2x16x128xi32> -> vector<256x2x16x128xf32>
    %mul3A_99 = vector.broadcast %reshape3A_86 : vector<256x2x1x128xf32> to vector<256x2x16x128xf32>
    %mul3A_100 = arith.mulf %get3A_77, %mul3A_99 : vector<256x2x16x128xf32>
    %mul3A_101 = vector.broadcast %reshape3A_88 : vector<256x2x1x128xf32> to vector<256x2x16x128xf32>
    %mul3A_102 = arith.mulf %gather3A_98, %mul3A_101 : vector<256x2x16x128xf32>
    %add3A_103 = arith.addf %mul3A_100, %mul3A_102 : vector<256x2x16x128xf32>
    %swap3A_104 = arith.constant 0 : index
    %swap3A_105 = arith.constant 0 : index
    %swap3A_106 = arith.constant 0 : index
    %swap3A_107 = arith.constant 0 : index
    %swap3A_108 = vector.load %arg6[%swap3A_104, %swap3A_105, %swap3A_106, %swap3A_107] : memref<256x2x16x128xf32, #tpu.memory_space<vmem>>, vector<256x2x16x128xf32>
    tpu.vector_store %arg6[%swap3A_104, %swap3A_105, %swap3A_106, %swap3A_107], %add3A_103 {strides = array<i32>} : memref<256x2x16x128xf32, #tpu.memory_space<vmem>>, vector<256x2x16x128xf32>,
    return
  }
  func.func @transform_0(%arg0: i32) -> (i32, i32, i32, i32) {
    %c0_i32 = arith.constant 0 : i32
    %c0_i32_0 = arith.constant 0 : i32
    %c0_i32_1 = arith.constant 0 : i32
    %c0_i32_2 = arith.constant 0 : i32
    return %arg0, %c0_i32, %c0_i32_0, %c0_i32_1 : i32, i32, i32, i32
  }
  func.func @transform_1(%arg0: i32) -> (i32, i32, i32, i32) {
    %c0_i32 = arith.constant 0 : i32
    %c0_i32_0 = arith.constant 0 : i32
    %c0_i32_1 = arith.constant 0 : i32
    %c0_i32_2 = arith.constant 0 : i32
    return %arg0, %c0_i32, %c0_i32_0, %c0_i32_1 : i32, i32, i32, i32
  }
  func.func @transform_2(%arg0: i32) -> (i32, i32, i32) {
    %c0_i32 = arith.constant 0 : i32
    %c0_i32_0 = arith.constant 0 : i32
    %c0_i32_1 = arith.constant 0 : i32
    return %c0_i32, %arg0, %c0_i32_0 : i32, i32, i32
  }
  func.func @transform_3(%arg0: i32) -> (i32, i32, i32) {
    %c1_i32 = arith.constant 1 : i32
    %c0_i32 = arith.constant 0 : i32
    %c0_i32_0 = arith.constant 0 : i32
    return %c1_i32, %arg0, %c0_i32 : i32, i32, i32
  }
  func.func @transform_4(%arg0: i32) -> (i32, i32, i32, i32) {
    %c0_i32 = arith.constant 0 : i32
    %c0_i32_0 = arith.constant 0 : i32
    %c0_i32_1 = arith.constant 0 : i32
    %c0_i32_2 = arith.constant 0 : i32
    return %arg0, %c0_i32, %c0_i32_0, %c0_i32_1 : i32, i32, i32, i32
  }
  func.func @transform_5(%arg0: i32) -> (i32, i32, i32, i32) {
    %c0_i32 = arith.constant 0 : i32
    %c0_i32_0 = arith.constant 0 : i32
    %c0_i32_1 = arith.constant 0 : i32
    %c0_i32_2 = arith.constant 0 : i32
    return %arg0, %c0_i32, %c0_i32_0, %c0_i32_1 : i32, i32, i32, i32
  }
}

</mosaic_0001>

<sc_bundles>
// kernel: kernel.4.cloned.1.call-start
scs
__scs_entry_jumppad:
0x0: {  	(pc) =	sbr.rel $0x88, $3  }
0x1: {  	(tag) =	ssettag $0x0;
	lr =	simm.s32 $0x1  }
0x2: {  	[smem:$0x3F9B] =	sst lr;
	_ =	strace $0xD0000000  }
0x3: {  	_ = 	snop  }
0x4: {  	_ = 	snop  }
0x5: {  	_ = 	snop  }
0x6: {  	_ = 	snop  }
0x7: {  	_ = 	snop  }
__scs_overlays_trampoline_lowered:
0x8: {  	[smem:$0x3FAA] =	sst s0  }
0x9: {  	[smem:$0x3FAB] =	sst s1  }
0xa: {  	[smem:$0x3FAC] =	sst s2  }
0xb: {  	[smem:$0x3FAD] =	sst s3  }
0xc: {  	[smem:$0x3FAE] =	sst s4  }
0xd: {  	[smem:$0x3FAF] =	sst s5  }
0xe: {  	[smem:$0x3FB0] =	sst s6  }
0xf: {  	[smem:$0x3FB1] =	sst s7  }
0x10: {  	[smem:$0x3FB2] =	sst s8  }
0x11: {  	[smem:$0x3FB3] =	sst s9;
	s0 =	simm.s32 @!p0 $0x0  }
0x12: {  	s1 =	sld [smem:$0x3F99];
	s0 =	simm.s32 @p0 $0x1  }
0x13: {  	[smem:$0x3FB4] =	sst s0;
	s0 =	simm.s32 @!p1 $0x0  }
0x14: {  	s2 =	sld [smem:$0x3F98];
	s0 =	simm.s32 @p1 $0x1  }
0x15: {  	[smem:$0x3FB5] =	sst s0;
	s0 =	simm.s32 @!p2 $0x0  }
0x16: {  	s3 =	sld [smem:$0x3FDB];
	s0 =	simm.s32 @p2 $0x1  }
0x17: {  	s4 =	simm.s32 $0x1BF5;
	[smem:$0x3FB7] =	sst s0  }
0x18: {  	s0 =	sld [smem:$0x3F9A];
	_ =	swait.ge [sflag:s4], $0x0  }
0x19: {  	s7 =	sld [smem:$0x3F9B]  }
0x1a: {  	s8 =	sadd.s32 $0xFFFFE003, lr  }
0x1b: {  	s9 =	sadd.s32 $0xFFFFFEF7, lr;
	s5 =	simm.s32 $0xFFFFFFFF;
	p2 =	slt.u32 s8, $0xFFFFF086  }
0x1c: {  	p1 =	slt.u32 s9, $0xF7A;
	s5 =	simm.s32 @!p2 $0x0  }
0x1d: {  	s5 =	simm.s32 @p1 $0x1;
	p0 =	seq.s32 s7, s2  }
0x1e: {  	s7 =	smul.u32 @!p0 $0xF7A, s2;
	p2 =	seq.s32 @!p0 s5, $0x0  }
0x1f: {  	s9 =	smul.u32 $0xF7A, s1;
	s8 =	simm.s32 @!p0 $0x1BF5;
	p2 =	por !p2, p0  }
0x20: {  	[sflag:s8] =	ssyncset.s32 @!p0 $0xFFFFF086;
	s6 =	sadd.s32 @!p0 s3, s7;
	s7 =	simm.s32 @!p0 $0x108  }
0x21: {  	s3 =	sadd.s32 s3, s9;
	s6 =	sadd.s32 @!p0 $0x88, s6;
	s7 =	simm.s32 @p2 $0x1082  }
0x22: {  	[simem:s7], [sflag:s8] =	dma.local @!p0 [hbm:s6], $0xF7A  }
0x23: {  	s9 =	sor.u32 $0xD0000000, s2;
	s6 =	simm.s32 $0x108;
	_ =	swait.ge @!p0 [sflag:s8], $0x0  }
0x24: {  	s3 =	sadd.s32 $0x88, s3;
	s6 =	simm.s32 @!p1 $0x1082;
	[sflag:s4] =	ssyncset.s32 $0xFFFFF086  }
0x25: {  	[simem:s6], [sflag:s4] =	dma.local [hbm:s3], $0xF7A  }
0x26: {  	[smem:$0x3F9B] =	sst s1;
	(tag) =	ssettag s2;
	_ =	strace s9  }
0x27: {  	s1 =	sld [smem:$0x3FAB]  }
0x28: {  	s2 =	sld [smem:$0x3FAC]  }
0x29: {  	s4 =	sld [smem:$0x3FAE]  }
0x2a: {  	p0 =	seq.s32 s5, $0x0;
	s5 =	sld [smem:$0x3FAF]  }
0x2b: {  	s6 =	sld [smem:$0x3FB0]  }
0x2c: {  	s7 =	sld [smem:$0x3FB1]  }
0x2d: {  	s3 =	simm.s32 $0x108;
	s8 =	sld [smem:$0x3FB2]  }
0x2e: {  	s3 =	simm.s32 @!p0 $0x1082;
	s9 =	sld [smem:$0x3FB3]  }
0x2f: {  	lr =	sadd.s32 s0, s3;
	s0 =	sld [smem:$0x3FAA]  }
0x30: {  	s3 =	sld [smem:$0x3FAD]  }
0x31: {  	[smem:$0x3FB6] =	sst s10  }
0x32: {  	s10 =	sld [smem:$0x3FB4];
	_ =	sdelay $0x3  }
0x33: {  	p0 =	seq.s32 s10, $0x1;
	s10 =	sld [smem:$0x3FB6];
	_ =	sdelay $0x3  }
0x34: {  	[smem:$0x3FB6] =	sst s10  }
0x35: {  	s10 =	sld [smem:$0x3FB5];
	_ =	sdelay $0x3  }
0x36: {  	p1 =	seq.s32 s10, $0x1;
	s10 =	sld [smem:$0x3FB6];
	_ =	sdelay $0x3  }
0x37: {  	[smem:$0x3FB6] =	sst s10  }
0x38: {  	s10 =	sld [smem:$0x3FB7]  }
0x39: {  	_ = 	snop;
	(pc) =	sbr.ind lr, $3  }
0x3a: {  	_ = 	snop  }
0x3b: {  	_ = 	snop  }
0x3c: {  	p2 =	seq.s32 s10, $0x1;
	s10 =	sld [smem:$0x3FB6]  }
0x3d: {  	_ =	shalt  }
0x3e: {  	_ =	shalt  }
0x3f: {  	_ =	shalt  }
0x40: {  	_ =	shalt  }
0x41: {  	_ =	shalt  }
0x42: {  	_ =	shalt  }
0x43: {  	_ =	shalt  }
0x44: {  	_ =	shalt  }
0x45: {  	_ =	shalt  }
0x46: {  	_ =	shalt  }
0x47: {  	_ =	shalt  }
0x48: {  	_ =	shalt  }
0x49: {  	_ =	shalt  }
0x4a: {  	_ =	shalt  }
0x4b: {  	_ =	shalt  }
0x4c: {  	_ =	shalt  }
0x4d: {  	_ =	shalt  }
0x4e: {  	_ =	shalt  }
0x4f: {  	_ =	shalt  }
0x50: {  	_ =	shalt  }
0x51: {  	_ =	shalt  }
0x52: {  	_ =	shalt  }
0x53: {  	_ =	shalt  }
0x54: {  	_ =	shalt  }
0x55: {  	_ =	shalt  }
0x56: {  	_ =	shalt  }
0x57: {  	_ =	shalt  }
0x58: {  	_ =	shalt  }
0x59: {  	_ =	shalt  }
0x5a: {  	_ =	shalt  }
0x5b: {  	_ =	shalt  }
0x5c: {  	_ =	shalt  }
0x5d: {  	_ =	shalt  }
0x5e: {  	_ =	shalt  }
0x5f: {  	_ =	shalt  }
0x60: {  	_ =	shalt  }
0x61: {  	_ =	shalt  }
0x62: {  	_ =	shalt  }
0x63: {  	_ =	shalt  }
0x64: {  	_ =	shalt  }
0x65: {  	_ =	shalt  }
0x66: {  	_ =	shalt  }
0x67: {  	_ =	shalt  }
0x68: {  	_ =	shalt  }
0x69: {  	_ =	shalt  }
0x6a: {  	_ =	shalt  }
0x6b: {  	_ =	shalt  }
0x6c: {  	_ =	shalt  }
0x6d: {  	_ =	shalt  }
0x6e: {  	_ =	shalt  }
0x6f: {  	_ =	shalt  }
0x70: {  	_ =	shalt  }
0x71: {  	_ =	shalt  }
0x72: {  	_ =	shalt  }
0x73: {  	_ =	shalt  }
0x74: {  	_ =	shalt  }
0x75: {  	_ =	shalt  }
0x76: {  	_ =	shalt  }
0x77: {  	_ =	shalt  }
0x78: {  	_ =	shalt  }
0x79: {  	_ =	shalt  }
0x7a: {  	_ =	shalt  }
0x7b: {  	_ =	shalt  }
0x7c: {  	_ =	shalt  }
0x7d: {  	_ =	shalt  }
0x7e: {  	_ =	shalt  }
0x7f: {  	_ =	shalt  }
0x80: {  	_ =	shalt  }
0x81: {  	_ =	shalt  }
0x82: {  	_ =	shalt  }
0x83: {  	_ =	shalt  }
0x84: {  	_ =	shalt  }
0x85: {  	_ =	shalt  }
0x86: {  	_ =	shalt  }
0x87: {  	_ =	shalt  }
.Lfunc_end0:
.L_simem_size_0:
called_computation_lowered:
.L_overlay_start_0:
0x88: {  	s2 =	sld [smem:$0x3FD9]  }
0x89: {  	s3 =	sld [smem:$0x3FFE];
	_ =	sdelay $0x1  }
0x8a: {  	s1 =	srdreg.scid  }
0x8b: {  	s0 =	sand.u32 $0x1, s1  }
0x8c: {  	s14 =	sshll.u32 s0, $0xA;
	s2 =	sadd.s32 s3, s2  }
0x8d: {  	s2 =	sadd.s32 s2, s14  }
0x8e: {  	[smem:$0x3FC2] =	sst s2  }
0x8f: {  	_ = 	snop  }
0x90: {  	s2 =	sld [smem:$0x3FD0];
	_ =	sdelay $0x2  }
0x91: {  	s15 =	simm.s32 $0xA;
	s4 =	simm.s32 $0x10  }
0x92: {  	[smem:s4], [sflag:s15] =	dma.local [hbm:s2], $0x1  }
0x93: {  	_ =	swait.eq [sflag:s15], $0x1  }
0x94: {  	[sflag:s15] =	ssyncset.done $0x0  }
0x95: {  	s16 =	sld [smem:$0x10];
	[sflag:s15] =	ssyncadd.s32 $0xFFFFFFFF  }
0x96: {  	s17 =	sld [smem:$0x11];
	(tm) =	ssettm $0x1  }
0x97: {  	s18 =	sld [smem:$0x3FFB];
	_ =	sdelay $0x3  }
0x98: {  	_ =	strace s18  }
0x99: {  	s4 =	sld [smem:$0x3FFC];
	_ =	sdelay $0x3  }
0x9a: {  	_ =	strace s4  }
0x9b: {  	s4 =	sld [smem:$0x3FFD];
	_ =	sdelay $0x3  }
0x9c: {  	_ =	strace s4  }
0x9d: {  	_ =	strace $0x8FFFFFFF  }
0x9e: {  	s19 =	sld [smem:$0x3FDB];
	_ =	sdelay $0x1  }
0x9f: {  	s5 =	simm.s32 $_scs_section_size  }
0xa0: {  	s6 =	simm.s32 $_size__tile_overlayer_lowered;
	s7 =	simm.s32 $_tile_overlayer_lowered  }
0xa1: {  	s22 =	simm.s32 $0x1BFF;
	s21 =	sshll.u32 s7, $0x1;
	s4 =	sadd.s32 s5, s19  }
0xa2: {  	s8 =	simm.s32 $0x0;
	s20 =	sshll.u32 s6, $0x1;
	s6 =	sadd.s32 s21, s4  }
0xa3: {  	[timem:s8], [sflag:s22] =	dma.local [hbm:s6], s20  }
0xa4: {  	_ =	swait.ge [sflag:s22], s20  }
0xa5: {  	s5 =	ssub.s32 $0x0, s20;
	[sflag:s22] =	ssyncset.done $0x0  }
0xa6: {  	[sflag:s22] =	ssyncadd.s32 s5;
	_ =	sdelay $0x1  }
0xa7: {  	s23 =	simm.s32 $0x1B8B  }
0xa8: {  	_ =	swait.ge [sflag:s23], $0x1  }
0xa9: {  	[sflag:s23] =	ssyncset.done $0x0  }
0xaa: {  	s25 =	simm.s32 $0x1B8E;
	s24 =	sld [smem:$0x3FFE];
	[sflag:s23] =	ssyncadd.s32 $0xFFFFFFFF  }
0xab: {  	s26 =	simm.s32 $execute0_lowered;
	[smem:$0x3FD2] =	sst s25  }
0xac: {  	s6 =	sshll.u32 s26, $0x1;
	_ =	strace $0x80000046;
	[dreg:$0x1] =	wrdreg $0xFFFFFFFF  }
0xad: {  	s28 =	simm.s32 $_size_execute0_lowered;
	s4 =	sadd.s32 s4, s6;
	[dreg:$0x0] =	wrdreg $0x0  }
0xae: {  	s6 =	sshll.u32 s28, $0x1;
	[dreg:$0x2] =	wrdreg s4  }
0xaf: {  	[dreg:$0x3] =	wrdreg s6  }
0xb0: {  	[dreg:$0x4] =	wrdreg $0xC0  }
0xb1: {  	_ =	task [dreg:s8], $0x5FFFF  }
0xb2: {  	[dreg:$0x1] =	wrdreg $0xFFFFFFFF  }
0xb3: {  	[dreg:$0x0] =	wrdreg $0x60  }
0xb4: {  	[dreg:$0x2] =	wrdreg s17  }
0xb5: {  	[dreg:$0x3] =	wrdreg s16  }
0xb6: {  	[dreg:$0x4] =	wrdreg s24  }
0xb7: {  	[dreg:$0x5] =	wrdreg $0x9  }
0xb8: {  	_ =	task.clear_ibuf [dreg:s8], $0x6FFFF;
	_ =	strace $0x90000046  }
0xb9: {  	s29 =	simm.s32 $0x9;
	_ =	strace $0x80000048  }
0xba: {  	_ =	swait.ge [sflag:s29], $0x1  }
0xbb: {  	[sflag:s29] =	ssyncadd.s32 $0xFFFFFFFF  }
0xbc: {  	_ =	strace $0x90000048  }
0xbd: {  	_ =	sfence  }
0xbe: {  	s30 =	sld [smem:$0x0];
	_ =	sdelay $0x2  }
0xbf: {  	s31 =	sshll.u32 s1, $0xD;
	s1 =	sshrl.u32 s1, $0x2  }
0xc0: {  	s3 =	sand.u32 $0x4000, s31;
	s1 =	sadd.s32 s1, s30  }
0xc1: {  	s0 =	sor.u32 s3, s0;
	s1 =	sshll.u32 s1, $0x11  }
0xc2: {  	s0 =	sor.u32 s1, s0  }
0xc3: {  	s0 =	sadd.s32 $0x8F2B, s0  }
0xc4: {  	[sflag:s0] =	ssyncadd.remote.s32 $0x1  }
0xc5: {  	_ =	sfence.sel $0xFFFF  }
0xc6: {  	[dreg:$0x0] =	wrdreg $0xFFFFFFFF;
	(pc) =	sbr.abs _section_cstart, $3  }
0xc7: {  	[dreg:$0x1] =	wrdreg $0xFFFFFFFF  }
0xc8: {  	_ =	task.clear_ibuf [dreg:s8], $0x2FFFF;
	_ =	strace $0x9FFFFFFF  }
0xc9: {  	(tm) =	ssettm $0x7FFFFFFF  }
tec
execute0_lowered:
.L_overlay_start_1:
0x0: {  	(tag) =	ssettag $0x1  }
0x1: {  	s2 =	rddreg [dreg:$0x0]  }
0x2: {  	s4 =	rddreg [dreg:$0x1]  }
0x3: {  	s12 =	rddreg [dreg:$0x2];
	s3 =	srdreg.scid  }
0x4: {  	s0 =	rddreg [dreg:$0x3];
	s1 =	stileid.u32;
	s25 =	sand.u32 $0x1, s3  }
0x5: {  	s3 =	simm.s32 $0x0;
	s5 =	sshll.u32 s1, $0x7;
	s6 =	sshll.u32 s25, $0x6  }
0x6: {  	[smem:$0x7FF] =	sst s3;
	s6 =	sor.u32 s6, s5  }
0x7: {  	_ =	strace $0x80000047;
	s5 =	sadd.s32 s4, s6;
	s4 =	simm.s32 $0x3  }
0x8: {  	[tilespmem:s3], [sflag:$0x3] =	stream.linear.gather [hbm4b:s5+s3], $0x200, $0x38;
	[tilespmem:$0x8400] =	vst v63  }
0x9: {  	_ =	swait.ge [sflag:s4], $0x200  }
0xa: {  	s6 =	sadd.s32 s6, s12;
	[sflag:s4] =	ssyncset.done $0x0  }
0xb: {  	s7 =	simm.s32 $0x200;
	s6 =	sadd.s32 $0xA00, s6;
	[sflag:s4] =	ssyncadd.s32 $0xFFFFFE00  }
0xc: {  	[tilespmem:s7], [sflag:$0x3] =	stream.linear.gather [hbm4b:s6+s3], $0x200, $0x38;
	[tilespmem:$0x8400] =	vst v63  }
0xd: {  	_ =	swait.ge [sflag:s4], $0x200  }
0xe: {  	s8 =	simm.s32 $0x80;
	[sflag:s4] =	ssyncset.done $0x0  }
0xf: {  	s9 =	simm.s32 $0x400;
	s10 =	simm.s32 $0x4400;
	[sflag:s4] =	ssyncadd.s32 $0xFFFFFE00  }
0x10: {  	[tilespmem:s9], [sflag:$0x1] =	stream.indirect.gather [hbm4b:s2+s8], $0x80, s3, s8, $0xb8;
	[tilespmem:$0x8400] =	vst v63  }
0x11: {  	s11 =	simm.s32 $0x1;
	s13 =	sshll.u32 s1, $0xE;
	s14 =	sshll.u32 s25, $0xD  }
0x12: {  	[tilespmem:s10], [sflag:$0x2] =	stream.indirect.gather [hbm4b:s2+s8], $0x80, s8, s8, $0xb8;
	[tilespmem:$0x8400] =	vst v63  }
0x13: {  	s13 =	sor.u32 s14, s13;
	_ =	swait.ge [sflag:s11], $0x4000  }
0x14: {  	s26 =	sadd.s32 s13, s12;
	[sflag:s11] =	ssyncset.done $0x0  }
0x15: {  	s12 =	sadd.s32 $0x1200, s26;
	[sflag:s11] =	ssyncadd.s32 $0xFFFFC000  }
0x16: {  	[hbm4b:s12+s3] =	stream.linear.scatter [tilespmem:s9], [sflag:$0x3], $0x4000, $0x38;
	[tilespmem:$0x8400] =	vst v63  }
0x17: {  	_ =	swait.ge [sflag:s4], $0x4000  }
0x18: {  	[sflag:s4] =	ssyncset.done $0x0  }
0x19: {  	s14 =	simm.s32 $0x2;
	s13 =	simm.s32 $0x100;
	[sflag:s4] =	ssyncadd.s32 $0xFFFFC000  }
0x1a: {  	[tilespmem:s9], [sflag:$0x1] =	stream.indirect.gather [hbm4b:s2+s8], $0x80, s13, s8, $0xb8;
	[tilespmem:$0x8400] =	vst v63  }
0x1b: {  	_ =	swait.ge [sflag:s14], $0x4000  }
0x1c: {  	[sflag:s14] =	ssyncset.done $0x0  }
0x1d: {  	s15 =	sadd.s32 $0x1A00, s26;
	[sflag:s14] =	ssyncadd.s32 $0xFFFFC000  }
0x1e: {  	[hbm4b:s15+s3] =	stream.linear.scatter [tilespmem:s10], [sflag:$0x3], $0x4000, $0x38;
	[tilespmem:$0x8400] =	vst v63  }
0x1f: {  	_ =	swait.ge [sflag:s4], $0x4000  }
0x20: {  	[sflag:s4] =	ssyncset.done $0x0  }
0x21: {  	s16 =	simm.s32 $0x180;
	[sflag:s4] =	ssyncadd.s32 $0xFFFFC000  }
0x22: {  	[tilespmem:s10], [sflag:$0x2] =	stream.indirect.gather [hbm4b:s2+s8], $0x80, s16, s8, $0xb8;
	[tilespmem:$0x8400] =	vst v63  }
0x23: {  	_ =	swait.ge [sflag:s11], $0x4000  }
0x24: {  	[sflag:s11] =	ssyncset.done $0x0  }
0x25: {  	s17 =	sadd.s32 $0x2200, s26;
	[sflag:s11] =	ssyncadd.s32 $0xFFFFC000  }
0x26: {  	[hbm4b:s17+s3] =	stream.linear.scatter [tilespmem:s9], [sflag:$0x3], $0x4000, $0x38;
	[tilespmem:$0x8400] =	vst v63  }
0x27: {  	_ =	swait.ge [sflag:s4], $0x4000  }
0x28: {  	[sflag:s4] =	ssyncset.done $0x0  }
0x29: {  	[sflag:s4] =	ssyncadd.s32 $0xFFFFC000  }
0x2a: {  	[tilespmem:s9], [sflag:$0x1] =	stream.indirect.gather [hbm4b:s2+s8], $0x80, s7, s8, $0xb8;
	[tilespmem:$0x8400] =	vst v63  }
0x2b: {  	_ =	swait.ge [sflag:s14], $0x4000  }
0x2c: {  	[sflag:s14] =	ssyncset.done $0x0  }
0x2d: {  	s18 =	sadd.s32 $0x2A00, s26;
	[sflag:s14] =	ssyncadd.s32 $0xFFFFC000  }
0x2e: {  	[hbm4b:s18+s3] =	stream.linear.scatter [tilespmem:s10], [sflag:$0x3], $0x4000, $0x38;
	[tilespmem:$0x8400] =	vst v63  }
0x2f: {  	_ =	swait.ge [sflag:s4], $0x4000  }
0x30: {  	[sflag:s4] =	ssyncset.done $0x0  }
0x31: {  	s19 =	simm.s32 $0x280;
	[sflag:s4] =	ssyncadd.s32 $0xFFFFC000  }
0x32: {  	[tilespmem:s10], [sflag:$0x2] =	stream.indirect.gather [hbm4b:s2+s8], $0x80, s19, s8, $0xb8;
	[tilespmem:$0x8400] =	vst v63  }
0x33: {  	_ =	swait.ge [sflag:s11], $0x4000  }
0x34: {  	[sflag:s11] =	ssyncset.done $0x0  }
0x35: {  	s20 =	sadd.s32 $0x41200, s26;
	[sflag:s11] =	ssyncadd.s32 $0xFFFFC000  }
0x36: {  	[hbm4b:s20+s3] =	stream.linear.scatter [tilespmem:s9], [sflag:$0x3], $0x4000, $0x38;
	[tilespmem:$0x8400] =	vst v63  }
0x37: {  	_ =	swait.ge [sflag:s4], $0x4000  }
0x38: {  	[sflag:s4] =	ssyncset.done $0x0  }
0x39: {  	s21 =	simm.s32 $0x300;
	[sflag:s4] =	ssyncadd.s32 $0xFFFFC000  }
0x3a: {  	[tilespmem:s9], [sflag:$0x1] =	stream.indirect.gather [hbm4b:s2+s8], $0x80, s21, s8, $0xb8;
	[tilespmem:$0x8400] =	vst v63  }
0x3b: {  	_ =	swait.ge [sflag:s14], $0x4000  }
0x3c: {  	[sflag:s14] =	ssyncset.done $0x0  }
0x3d: {  	s22 =	sadd.s32 $0x41A00, s26;
	[sflag:s14] =	ssyncadd.s32 $0xFFFFC000  }
0x3e: {  	[hbm4b:s22+s3] =	stream.linear.scatter [tilespmem:s10], [sflag:$0x3], $0x4000, $0x38;
	[tilespmem:$0x8400] =	vst v63  }
0x3f: {  	_ =	swait.ge [sflag:s4], $0x4000  }
0x40: {  	[sflag:s4] =	ssyncset.done $0x0  }
0x41: {  	s23 =	simm.s32 $0x380;
	[sflag:s4] =	ssyncadd.s32 $0xFFFFC000  }
0x42: {  	[tilespmem:s10], [sflag:$0x2] =	stream.indirect.gather [hbm4b:s2+s8], $0x80, s23, s8, $0xb8;
	[tilespmem:$0x8400] =	vst v63  }
0x43: {  	_ =	swait.ge [sflag:s11], $0x4000  }
0x44: {  	[sflag:s11] =	ssyncset.done $0x0  }
0x45: {  	s25 =	ssub.s32 $0x2, s25;
	s24 =	sadd.s32 $0x42200, s26;
	[sflag:s11] =	ssyncadd.s32 $0xFFFFC000  }
0x46: {  	[hbm4b:s24+s3] =	stream.linear.scatter [tilespmem:s9], [sflag:$0x3], $0x4000, $0x38;
	[tilespmem:$0x8400] =	vst v63  }
0x47: {  	s28 =	sshrl.u32 s25, $0x1;
	_ =	swait.ge [sflag:s4], $0x4000  }
0x48: {  	s28 =	ssub.s32 s25, s28;
	[sflag:s4] =	ssyncset.done $0x0  }
0x49: {  	s31 =	smax.u32 s28, $0x1;
	[sflag:s4] =	ssyncadd.s32 $0xFFFFC000  }
0x4a: {  	p0 =	sne.s32 s31, $0x1;
	_ =	swait.ge [sflag:s14], $0x4000  }
.Ltmp0:
0x4b: {  	[sflag:s14] =	ssyncset.done $0x0;
	(pc) =	sbr.rel @!p0 .LBB2_2-.Ltmp0, $4  }
0x4c: {  	s25 =	sadd.s32 $0x42A00, s26;
	[sflag:s14] =	ssyncadd.s32 $0xFFFFC000  }
0x4d: {  	[hbm4b:s25+s3] =	stream.linear.scatter [tilespmem:s10], [sflag:$0x3], $0x4000, $0x38;
	[tilespmem:$0x8400] =	vst v63  }
0x4e: {  	_ =	swait.ge [sflag:s4], $0x4000  }
0x4f: {  	s26 =	sadd.s32 $0xFFFFFFFF, s31;
	[sflag:s4] =	ssyncset.done $0x0  }
.LBB2_1:
0x50: {  	p0 =	sne.s32 s26, $0x1;
	s26 =	sadd.s32 $0xFFFFFFFF, s26;
	[sflag:s4] =	ssyncadd.s32 $0xFFFFC000  }
0x51: {  	[tilespmem:s3], [sflag:$0x3] =	stream.linear.gather [hbm4b:s5+s3], $0x200, $0x38;
	[tilespmem:$0x8400] =	vst v63  }
0x52: {  	_ =	swait.ge [sflag:s4], $0x200  }
0x53: {  	[sflag:s4] =	ssyncset.done $0x0  }
0x54: {  	[sflag:s4] =	ssyncadd.s32 $0xFFFFFE00  }
0x55: {  	[tilespmem:s7], [sflag:$0x3] =	stream.linear.gather [hbm4b:s6+s3], $0x200, $0x38;
	[tilespmem:$0x8400] =	vst v63  }
0x56: {  	_ =	swait.ge [sflag:s4], $0x200  }
0x57: {  	[sflag:s4] =	ssyncset.done $0x0  }
0x58: {  	[sflag:s4] =	ssyncadd.s32 $0xFFFFFE00  }
0x59: {  	[tilespmem:s9], [sflag:$0x1] =	stream.indirect.gather [hbm4b:s2+s8], $0x80, s3, s8, $0xb8;
	[tilespmem:$0x8400] =	vst v63  }
0x5a: {  	_ = 	snop  }
0x5b: {  	[tilespmem:s10], [sflag:$0x2] =	stream.indirect.gather [hbm4b:s2+s8], $0x80, s8, s8, $0xb8;
	[tilespmem:$0x8400] =	vst v63  }
0x5c: {  	_ =	swait.ge [sflag:s11], $0x4000  }
0x5d: {  	[sflag:s11] =	ssyncset.done $0x0  }
0x5e: {  	[sflag:s11] =	ssyncadd.s32 $0xFFFFC000  }
0x5f: {  	[hbm4b:s12+s3] =	stream.linear.scatter [tilespmem:s9], [sflag:$0x3], $0x4000, $0x38;
	[tilespmem:$0x8400] =	vst v63  }
0x60: {  	_ =	swait.ge [sflag:s4], $0x4000  }
0x61: {  	[sflag:s4] =	ssyncset.done $0x0  }
0x62: {  	[sflag:s4] =	ssyncadd.s32 $0xFFFFC000  }
0x63: {  	[tilespmem:s9], [sflag:$0x1] =	stream.indirect.gather [hbm4b:s2+s8], $0x80, s13, s8, $0xb8;
	[tilespmem:$0x8400] =	vst v63  }
0x64: {  	_ =	swait.ge [sflag:s14], $0x4000  }
0x65: {  	[sflag:s14] =	ssyncset.done $0x0  }
0x66: {  	[sflag:s14] =	ssyncadd.s32 $0xFFFFC000  }
0x67: {  	[hbm4b:s15+s3] =	stream.linear.scatter [tilespmem:s10], [sflag:$0x3], $0x4000, $0x38;
	[tilespmem:$0x8400] =	vst v63  }
0x68: {  	_ =	swait.ge [sflag:s4], $0x4000  }
0x69: {  	[sflag:s4] =	ssyncset.done $0x0  }
0x6a: {  	[sflag:s4] =	ssyncadd.s32 $0xFFFFC000  }
0x6b: {  	[tilespmem:s10], [sflag:$0x2] =	stream.indirect.gather [hbm4b:s2+s8], $0x80, s16, s8, $0xb8;
	[tilespmem:$0x8400] =	vst v63  }
0x6c: {  	_ =	swait.ge [sflag:s11], $0x4000  }
0x6d: {  	[sflag:s11] =	ssyncset.done $0x0  }
0x6e: {  	[sflag:s11] =	ssyncadd.s32 $0xFFFFC000  }
0x6f: {  	[hbm4b:s17+s3] =	stream.linear.scatter [tilespmem:s9], [sflag:$0x3], $0x4000, $0x38;
	[tilespmem:$0x8400] =	vst v63  }
0x70: {  	_ =	swait.ge [sflag:s4], $0x4000  }
0x71: {  	[sflag:s4] =	ssyncset.done $0x0  }
0x72: {  	[sflag:s4] =	ssyncadd.s32 $0xFFFFC000  }
0x73: {  	[tilespmem:s9], [sflag:$0x1] =	stream.indirect.gather [hbm4b:s2+s8], $0x80, s7, s8, $0xb8;
	[tilespmem:$0x8400] =	vst v63  }
0x74: {  	_ =	swait.ge [sflag:s14], $0x4000  }
0x75: {  	[sflag:s14] =	ssyncset.done $0x0  }
0x76: {  	[sflag:s14] =	ssyncadd.s32 $0xFFFFC000  }
0x77: {  	[hbm4b:s18+s3] =	stream.linear.scatter [tilespmem:s10], [sflag:$0x3], $0x4000, $0x38;
	[tilespmem:$0x8400] =	vst v63  }
0x78: {  	_ =	swait.ge [sflag:s4], $0x4000  }
0x79: {  	[sflag:s4] =	ssyncset.done $0x0  }
0x7a: {  	[sflag:s4] =	ssyncadd.s32 $0xFFFFC000  }
0x7b: {  	[tilespmem:s10], [sflag:$0x2] =	stream.indirect.gather [hbm4b:s2+s8], $0x80, s19, s8, $0xb8;
	[tilespmem:$0x8400] =	vst v63  }
0x7c: {  	_ =	swait.ge [sflag:s11], $0x4000  }
0x7d: {  	[sflag:s11] =	ssyncset.done $0x0  }
0x7e: {  	[sflag:s11] =	ssyncadd.s32 $0xFFFFC000  }
0x7f: {  	[hbm4b:s20+s3] =	stream.linear.scatter [tilespmem:s9], [sflag:$0x3], $0x4000, $0x38;
	[tilespmem:$0x8400] =	vst v63  }
0x80: {  	_ =	swait.ge [sflag:s4], $0x4000  }
0x81: {  	[sflag:s4] =	ssyncset.done $0x0  }
0x82: {  	[sflag:s4] =	ssyncadd.s32 $0xFFFFC000  }
0x83: {  	[tilespmem:s9], [sflag:$0x1] =	stream.indirect.gather [hbm4b:s2+s8], $0x80, s21, s8, $0xb8;
	[tilespmem:$0x8400] =	vst v63  }
0x84: {  	_ =	swait.ge [sflag:s14], $0x4000  }
0x85: {  	[sflag:s14] =	ssyncset.done $0x0  }
0x86: {  	[sflag:s14] =	ssyncadd.s32 $0xFFFFC000  }
0x87: {  	[hbm4b:s22+s3] =	stream.linear.scatter [tilespmem:s10], [sflag:$0x3], $0x4000, $0x38;
	[tilespmem:$0x8400] =	vst v63  }
0x88: {  	_ =	swait.ge [sflag:s4], $0x4000  }
0x89: {  	[sflag:s4] =	ssyncset.done $0x0  }
0x8a: {  	[sflag:s4] =	ssyncadd.s32 $0xFFFFC000  }
0x8b: {  	[tilespmem:s10], [sflag:$0x2] =	stream.indirect.gather [hbm4b:s2+s8], $0x80, s23, s8, $0xb8;
	[tilespmem:$0x8400] =	vst v63  }
0x8c: {  	_ =	swait.ge [sflag:s11], $0x4000  }
0x8d: {  	[sflag:s11] =	ssyncset.done $0x0  }
0x8e: {  	[sflag:s11] =	ssyncadd.s32 $0xFFFFC000  }
0x8f: {  	[hbm4b:s24+s3] =	stream.linear.scatter [tilespmem:s9], [sflag:$0x3], $0x4000, $0x38;
	[tilespmem:$0x8400] =	vst v63  }
0x90: {  	_ =	swait.ge [sflag:s4], $0x4000  }
0x91: {  	[sflag:s4] =	ssyncset.done $0x0  }
0x92: {  	[sflag:s4] =	ssyncadd.s32 $0xFFFFC000  }
0x93: {  	_ =	swait.ge [sflag:s14], $0x4000  }
.Ltmp1:
0x94: {  	[sflag:s14] =	ssyncset.done $0x0;
	(pc) =	sbr.rel @p0 .LBB2_1-.Ltmp1, $4  }
0x95: {  	[sflag:s14] =	ssyncadd.s32 $0xFFFFC000  }
0x96: {  	[hbm4b:s25+s3] =	stream.linear.scatter [tilespmem:s10], [sflag:$0x3], $0x4000, $0x38;
	[tilespmem:$0x8400] =	vst v63  }
0x97: {  	_ =	swait.ge [sflag:s4], $0x4000  }
0x98: {  	[sflag:s4] =	ssyncset.done $0x0  }
.LBB2_2:
0x99: {  	[sflag:s4] =	ssyncadd.s32 $0xFFFFC000  }
0x9a: {  	_ =	sfence.sel $0x180000  }
0x9b: {  	[bflag:$0x0] =	sbarrier.arrive $0xFFFF  }
0x9c: {  	p0 =	sne.s32 s1, $0x0;
	_ =	strace $0x90000047  }
0x9d: {  	s0 =	sadd.s32 @!p0 $0x100000, s0;
	[bflag:$0x2] =	sbarrier.arrive $0xFFFF  }
0x9e: {  	[sflag:s0] =	ssyncadd.tile.s32 @!p0 $0x1;
	_ =	shalt  }
.Lfunc_end2:
_tile_overlayer_lowered:
.L_overlay_start_2:
0x9f: {  	(tag) =	ssettag $0x2  }
0xa0: {  	s0 =	rddreg [dreg:$0x0];
	s2 =	stileid.u32  }
0xa1: {  	s1 =	rddreg [dreg:$0x1];
	p0 =	sne.s32 s2, $0x0  }
0xa2: {  	s3 =	rddreg [dreg:$0x2];
	[bflag:$0x3] =	sbarrier.arrive $0xFFFF;
	s2 =	simm.s32 @!p0 $0x1C03  }
0xa3: {  	[timem:s3], [sflag:s2] =	dma.local @!p0 [hbm:s0], s1  }
0xa4: {  	s0 =	simm.s32 @!p0 $0x3  }
0xa5: {  	_ =	swait.ge @!p0 [sflag:s0], s1  }
0xa6: {  	s1 =	ssub.s32 @!p0 $0x0, s1;
	[sflag:s0] =	ssyncset.done @!p0 $0x0  }
0xa7: {  	[sflag:s0] =	ssyncadd.s32 @!p0 s1  }
0xa8: {  	[bflag:$0x3] =	sbarrier.arrive $0xFFFF  }
0xa9: {  	_ =	shalt  }

</sc_bundles>
